<compile_context>
chip_gen: v7x
topology: tpu7x:2x2x1
jax: 0.10.2.dev20260603
libtpu: 0.0.44.dev20260713+nightly
codegen_flags: <defaults>
</compile_context>

<pallas_src>
import functools

import jax
import jax.numpy as jnp
from jax import lax
from jax.experimental import pallas as pl
from jax.experimental.pallas import tpu as pltpu
from jax.experimental.pallas import tpu_sc as plsc

def _dotd(a, b):
    return jax.lax.dot_general(a, b, (((1,), (0,)), ((), ())),
                               precision=jax.lax.Precision.DEFAULT,
                               preferred_element_type=jnp.float32)



def _knn_extract_kernel(pos_blk_ref, posT_ref, idx_ref, *, R, N, K):
    q = pos_blk_ref[0]

    d = jnp.zeros((R, N), dtype=jnp.float32)
    for c in range(3):
        qc = q[:, c:c + 1]
        pc = posT_ref[0, c, :].reshape(1, N)
        diff = qc - pc
        d = d + diff * diff

    col = jax.lax.broadcasted_iota(jnp.int32, (R, N), 1)
    boff = pl.program_id(0) * N

    for k in range(K + 1):
        m = jnp.min(d, axis=1, keepdims=True)
        cand = jnp.where(d == m, col, N)
        idx = jnp.min(cand, axis=1, keepdims=True)
        d = jnp.where(col == idx, jnp.inf, d)
        if k == 0:
            continue
        idx_ref[0, :, k - 1:k] = idx + boff


def _edgeconv_kernel(pos_blk_ref, nb_ref,
                     W1_ref, b1_ref, W2_ref, b2_ref, W3_ref, b3_ref,
                     pw_ref, pb_ref, out_ref, *, R, N, K):
    q = pos_blk_ref[0]
    W1 = W1_ref[...]
    b1 = b1_ref[...]
    W2 = W2_ref[...]
    b2 = b2_ref[...]
    W3 = W3_ref[...]
    b3 = b3_ref[...]

    nb = nb_ref[:, 0, :, 0:3].reshape(K * R, 3)
    qt = jnp.broadcast_to(q[None], (K, R, 3)).reshape(K * R, 3)
    e = jnp.concatenate([qt, nb, nb - qt], axis=1)
    y1r = jax.nn.relu(_dotd(e, W1) + b1)
    y1 = jnp.concatenate([y1r, qt], axis=1)
    y2r = jax.nn.relu(_dotd(y1, W2) + b2)
    y2 = jnp.concatenate([y2r, y1], axis=1)
    l3 = _dotd(y2, W3) + b3
    y3 = jnp.concatenate([l3, y2], axis=1)
    fmax = jnp.max(y3.reshape(K, R, 99), axis=0)

    pw = pw_ref[...]
    norm = jnp.sqrt(jnp.sum(pw * pw))
    score = (_dotd(fmax, pw) + pb_ref[0, 0]) / norm
    pad = jnp.zeros((R, 25), dtype=jnp.float32)
    out_ref[0] = jnp.concatenate([fmax, score, q, pad], axis=1)



def _rank_kernel(srow_ref, scol_ref, rank_ref, *, N, CH):
    s_row = srow_ref[0]
    irow = jax.lax.broadcasted_iota(jnp.int32, (1, N), 1)
    rank = jnp.zeros((1, N), dtype=jnp.int32)
    for c in range(N // CH):
        s_col = scol_ref[0, c * CH:(c + 1) * CH, :]
        jcol = (jax.lax.broadcasted_iota(jnp.int32, (CH, 1), 0)
                + c * CH)
        gt = s_col > s_row
        eq = (s_col == s_row) & (jcol < irow)
        cnt = (gt | eq).astype(jnp.int32)
        rank = rank + jnp.sum(cnt, axis=0, keepdims=True)
    rank_ref[0] = rank



def _make_sc_scatter(B, N):
    mesh = plsc.VectorSubcoreMesh(core_axis_name="c", subcore_axis_name="s")
    per_w = (B * N) // 32
    n_ch = per_w // 128

    @functools.partial(
        pl.kernel, mesh=mesh,
        out_type=jax.ShapeDtypeStruct((B * N,), jnp.int32),
        scratch_types=[
            pltpu.VMEM((128,), jnp.int32),
            pltpu.VMEM((128,), jnp.int32),
            pltpu.SemaphoreType.DMA,
        ],
    )
    def sc_scatter(rank_hbm, inv_hbm, idx_v, val_v, sem):
        wid = lax.axis_index("s") * 2 + lax.axis_index("c")
        base = wid * per_w
        for ch in range(n_ch):
            off = base + ch * 128
            pltpu.sync_copy(rank_hbm.at[pl.ds(off, 128)], idx_v)
            b = (off // N) * N
            for j in range(8):
                lane = jax.lax.iota(jnp.int32, 16)
                val_v[pl.ds(j * 16, 16)] = lane + (off + j * 16)
                idx_v[pl.ds(j * 16, 16)] = idx_v[pl.ds(j * 16, 16)] + b
            pltpu.async_copy(val_v, inv_hbm.at[idx_v], sem).wait()

    return sc_scatter


def _make_sc_gather_flat(M, D):
    mesh = plsc.VectorSubcoreMesh(core_axis_name="c", subcore_axis_name="s")
    per_w = M // 32

    @functools.partial(
        pl.kernel, mesh=mesh,
        out_type=jax.ShapeDtypeStruct((M, D), jnp.float32),
        scratch_types=[
            pltpu.VMEM((128,), jnp.int32),
            pltpu.VMEM((128, D), jnp.float32),
            pltpu.SemaphoreType.DMA,
        ],
    )
    def sc_gather_flat(idx_hbm, table_hbm, out_hbm, idx_v, rows_v, sem):
        wid = lax.axis_index("s") * 2 + lax.axis_index("c")
        base = wid * per_w

        def body(ch, carry):
            o = base + ch * 128
            pltpu.sync_copy(idx_hbm.at[pl.ds(o, 128)], idx_v)
            pltpu.async_copy(table_hbm.at[idx_v], rows_v, sem).wait()
            pltpu.sync_copy(rows_v, out_hbm.at[pl.ds(o, 128)])
            return carry

        lax.fori_loop(0, per_w // 128, body, 0)

    return sc_gather_flat


def _make_sc_gather(B, N, TOPK, D):
    mesh = plsc.VectorSubcoreMesh(core_axis_name="c", subcore_axis_name="s")
    per_w = (B * TOPK) // 32
    n_ch = per_w // 128

    @functools.partial(
        pl.kernel, mesh=mesh,
        out_type=jax.ShapeDtypeStruct((B * TOPK, D), jnp.float32),
        scratch_types=[
            pltpu.VMEM((128,), jnp.int32),
            pltpu.VMEM((128, D), jnp.float32),
            pltpu.SemaphoreType.DMA,
        ],
    )
    def sc_gather(inv_hbm, table_hbm, out_hbm, idx_v, rows_v, sem):
        wid = lax.axis_index("s") * 2 + lax.axis_index("c")
        for ch in range(n_ch):
            o = wid * per_w + ch * 128
            b = o // TOPK
            r = o - b * TOPK
            pltpu.sync_copy(inv_hbm.at[pl.ds(b * N + r, 128)], idx_v)
            pltpu.async_copy(table_hbm.at[idx_v], rows_v, sem).wait()
            pltpu.sync_copy(rows_v, out_hbm.at[pl.ds(o, 128)])

    return sc_gather



def _gate_adjust_kernel(sel_ref, m1w_ref, m1b_ref, m2w_ref, m2b_ref,
                        m3w_ref, m3b_ref, out_ref, *, TOPK):
    x = sel_ref[0]
    feat = x[:, 0:99]
    score = x[:, 99:100]
    pos_sel = x[:, 100:103]
    gate = jax.nn.sigmoid(score)
    x_ds = feat * gate
    h = jax.nn.relu(_dotd(x_ds, m1w_ref[...]) + m1b_ref[...])
    h = jax.nn.relu(_dotd(h, m2w_ref[...]) + m2b_ref[...])
    adj = _dotd(h, m3w_ref[...]) + m3b_ref[...]
    out_ref[0] = pos_sel + adj


def kernel(pos, W1, b1, W2, b2, W3, b3, pw, pb, m1w, m1b, m2w, m2b, m3w, m3b):
    B, N, _ = pos.shape
    K = 16
    R = 512
    TOPK = N // 2
    CH = 256

    posT = jnp.transpose(pos, (0, 2, 1))

    knn_idx = pl.pallas_call(
        functools.partial(_knn_extract_kernel, R=R, N=N, K=K),
        grid=(B, N // R),
        in_specs=[
            pl.BlockSpec((1, R, 3), lambda b, n: (b, n, 0)),
            pl.BlockSpec((1, 3, N), lambda b, n: (b, 0, 0)),
        ],
        out_specs=pl.BlockSpec((1, R, K), lambda b, n: (b, n, 0)),
        out_shape=jax.ShapeDtypeStruct((B, N, K), jnp.int32),
    )(pos, posT)

    idxT = jnp.transpose(knn_idx, (2, 0, 1)).reshape(K * B * N)
    pos128 = jnp.concatenate(
        [pos.reshape(B * N, 3), jnp.zeros((B * N, 125), jnp.float32)], axis=1)
    nbrows = _make_sc_gather_flat(K * B * N, 128)(idxT, pos128)
    nbrows = nbrows.reshape(K, B, N, 128)

    table = pl.pallas_call(
        functools.partial(_edgeconv_kernel, R=R, N=N, K=K),
        grid=(B, N // R),
        in_specs=[
            pl.BlockSpec((1, R, 3), lambda b, n: (b, n, 0)),
            pl.BlockSpec((K, 1, R, 128), lambda b, n: (0, b, n, 0)),
            pl.BlockSpec((9, 32), lambda b, n: (0, 0)),
            pl.BlockSpec((1, 32), lambda b, n: (0, 0)),
            pl.BlockSpec((35, 32), lambda b, n: (0, 0)),
            pl.BlockSpec((1, 32), lambda b, n: (0, 0)),
            pl.BlockSpec((67, 32), lambda b, n: (0, 0)),
            pl.BlockSpec((1, 32), lambda b, n: (0, 0)),
            pl.BlockSpec((99, 1), lambda b, n: (0, 0)),
            pl.BlockSpec((1, 1), lambda b, n: (0, 0)),
        ],
        out_specs=pl.BlockSpec((1, R, 128), lambda b, n: (b, n, 0)),
        out_shape=jax.ShapeDtypeStruct((B, N, 128), jnp.float32),
    )(pos, nbrows,
      W1, b1.reshape(1, 32), W2, b2.reshape(1, 32), W3, b3.reshape(1, 32),
      pw, pb.reshape(1, 1))

    score = table[:, :, 99]
    s_row = score.reshape(B, 1, N)
    s_col = score.reshape(B, N, 1)

    rank = pl.pallas_call(
        functools.partial(_rank_kernel, N=N, CH=CH),
        grid=(B,),
        in_specs=[
            pl.BlockSpec((1, 1, N), lambda b: (b, 0, 0)),
            pl.BlockSpec((1, N, 1), lambda b: (b, 0, 0)),
        ],
        out_specs=pl.BlockSpec((1, 1, N), lambda b: (b, 0, 0)),
        out_shape=jax.ShapeDtypeStruct((B, 1, N), jnp.int32),
    )(s_row, s_col)

    inv = _make_sc_scatter(B, N)(rank.reshape(B * N))
    sel = _make_sc_gather(B, N, TOPK, 128)(inv, table.reshape(B * N, 128))
    sel = sel.reshape(B, TOPK, 128)

    out = pl.pallas_call(
        functools.partial(_gate_adjust_kernel, TOPK=TOPK),
        grid=(B,),
        in_specs=[
            pl.BlockSpec((1, TOPK, 128), lambda b: (b, 0, 0)),
            pl.BlockSpec((99, 49), lambda b: (0, 0)),
            pl.BlockSpec((1, 49), lambda b: (0, 0)),
            pl.BlockSpec((49, 24), lambda b: (0, 0)),
            pl.BlockSpec((1, 24), lambda b: (0, 0)),
            pl.BlockSpec((24, 3), lambda b: (0, 0)),
            pl.BlockSpec((1, 3), lambda b: (0, 0)),
        ],
        out_specs=pl.BlockSpec((1, TOPK, 3), lambda b: (b, 0, 0)),
        out_shape=jax.ShapeDtypeStruct((B, TOPK, 3), jnp.float32),
    )(sel, m1w, m1b.reshape(1, 49), m2w, m2b.reshape(1, 24),
      m3w, m3b.reshape(1, 3))

    return out

# --- scband reference (transcript-rebuilt; emitter-appended) ---
"""Pipeline reference for scband-dmrde-noise-49572512530920 (READ-ONLY COPY).

The authoritative reference and input builder live on the scoring server;
editing this copy changes nothing except your own understanding.
"""

import jax, jax.numpy as jnp
import numpy as np


def _linear_init(key, fan_in, fan_out):
    k1, k2 = jax.random.split(key)
    lim = 1.0 / np.sqrt(fan_in)
    W = jax.random.uniform(k1, (fan_in, fan_out), minval=-lim, maxval=lim, dtype=jnp.float32)
    b = jax.random.uniform(k2, (fan_out,), minval=-lim, maxval=lim, dtype=jnp.float32)
    return W, b


def setup_inputs(seed: int = 0):
    key = jax.random.key(seed)
    ks = jax.random.split(key, 9)
    pos = jax.random.uniform(ks[0], (2, 4096, 3), dtype=jnp.float32)
    W1, b1 = _linear_init(ks[1], 9, 32)
    W2, b2 = _linear_init(ks[2], 35, 32)
    W3, b3 = _linear_init(ks[3], 67, 32)
    pw, pb = _linear_init(ks[4], 99, 1)
    m1w, m1b = _linear_init(ks[5], 99, 49)
    m2w, m2b = _linear_init(ks[6], 49, 24)
    m3w, m3b = _linear_init(ks[7], 24, 3)
    return {"pos": pos, "W1": W1, "b1": b1, "W2": W2, "b2": b2, "W3": W3, "b3": b3,
            "pw": pw, "pb": pb, "m1w": m1w, "m1b": m1b, "m2w": m2w, "m2b": m2b,
            "m3w": m3w, "m3b": m3b}


def _forward(pos, W1, b1, W2, b2, W3, b3, pw, pb, m1w, m1b, m2w, m2b, m3w, m3b):
    B, N, _ = pos.shape
    K = 16
    # get_knn_idx(pos, pos, k=K, offset=1): brute-force pairwise squared distances
    diff = pos[:, :, None, :] - pos[:, None, :, :]  # (B, M, N, 3), query index m varies over axis 1
    dist = jnp.sum(diff * diff, axis=-1)            # (B, M, N)
    knn_idx = jnp.argsort(dist, axis=2)[:, :, 1:K + 1]  # offset=1 skips self
    b_idx = jnp.arange(B)[:, None, None]
    # group(x=pos, knn_idx): (B, N, K, 3)
    knn_feat = pos[b_idx, knn_idx]
    x_tiled = jnp.broadcast_to(pos[:, :, None, :], (B, N, K, 3))
    # DenseEdgeConv.get_edge_feature -> (B, N, K, 9)
    edge_feat = jnp.concatenate([x_tiled, knn_feat, knn_feat - x_tiled], axis=-1)
    # DenseEdgeConv densely-connected layers (num_layers=3, layer_out_dim=32)
    y = jnp.concatenate([jax.nn.relu(edge_feat @ W1 + b1), x_tiled], axis=-1)   # (B,N,K,35)
    y = jnp.concatenate([jax.nn.relu(y @ W2 + b2), y], axis=-1)                 # (B,N,K,67)
    y = jnp.concatenate([y @ W3 + b3, y], axis=-1)                              # (B,N,K,99)
    feat = jnp.max(y, axis=2)  # aggr='max' -> (B, N, 99)
    # GPool (ratio 0.5): score, top-k select, sigmoid gate
    score = (feat @ pw + pb)[..., 0] / jnp.sqrt(jnp.sum(pw * pw))  # (B, N)
    k = N // 2
    top_idx = jnp.argsort(-score, axis=1)[:, :k]
    b2_idx = jnp.arange(B)[:, None]
    gate = jax.nn.sigmoid(jnp.take_along_axis(score, top_idx, axis=1))
    pos_ds = pos[b2_idx, top_idx]                      # (B, k, 3)
    x_ds = feat[b2_idx, top_idx] * gate[..., None]     # (B, k, 99)
    # DownsampleAdjust pre_filter MLP: 99 -> 49 -> 24 -> 3
    h = jax.nn.relu(x_ds @ m1w + m1b)
    h = jax.nn.relu(h @ m2w + m2b)
    adjust = h @ m3w + m3b
    return pos_ds + adjust  # adjusted downsampled point cloud (B, N//2, 3)


def reference(pos, W1, b1, W2, b2, W3, b3, pw, pb, m1w, m1b, m2w, m2b, m3w, m3b):
    return _forward(pos, W1, b1, W2, b2, W3, b3, pw, pb, m1w, m1b, m2w, m2b, m3w, m3b)

if __name__ == "__main__":
    import jax
    _d = setup_inputs()
    print(jax.jit(kernel)(*tuple(_d.values())))

</pallas_src>

<mosaic_0001>
#map = affine_map<(d0, d1) -> (0)>
#map1 = affine_map<(d0, d1) -> (0, 0)>
module attributes {stable_mosaic.version = 14 : i64} {
  func.func @sc_gather_flat(%arg0: i32, %arg1: i32, %arg2: memref<131072xi32, #tpu.memory_space<hbm>>, %arg3: memref<8192x128xf32, #tpu.memory_space<hbm>>, %arg4: memref<131072x128xf32, #tpu.memory_space<hbm>>, %arg5: memref<128xi32, #tpu.memory_space<vmem>>, %arg6: memref<128x128xf32, #tpu.memory_space<vmem>>, %arg7: memref<!tpu.dma_semaphore, #tpu.memory_space<semaphore_mem>>) attributes {dimension_semantics = [#tpu.dimension_semantics<core_parallel>, #tpu.dimension_semantics<subcore_parallel>], iteration_bounds = array<i64: 2, 16>, scalar_prefetch = 0 : i64, scratch_operands = 3 : i64, tpu.core_type = #tpu.core_type<sc_vector_subcore>, window_params = [{transform_indices = #map}, {transform_indices = #map1}, {transform_indices = #map1}]} {
    %mul3A = arith.constant 2 : i32
    %mul3A_0 = arith.muli %arg1, %mul3A : i32
    %add3A = arith.addi %mul3A_0, %arg0 : i32
    %mul3A_1 = arith.constant 4096 : i32
    %mul3A_2 = arith.muli %add3A, %mul3A_1 : i32
    %scan3A = arith.constant 0 : i32
    %scan3A_3 = arith.constant 0 : i32
    %scan3A_4 = arith.constant 32 : i32
    %scan3A_5 = arith.addi %scan3A_3, %scan3A_4 : i32
    %scan3A_6 = arith.constant 1 : i32
    scf.for %scan3A_8 = %scan3A_3 to %scan3A_5 step %scan3A_6  : i32 {
      %mul3A_9 = arith.constant 128 : i32
      %mul3A_10 = arith.muli %scan3A_8, %mul3A_9 : i32
      %add3A_11 = arith.addi %mul3A_2, %mul3A_10 : i32
      "tpu.region"() ({
        %run_scoped3A = tpu.sem_alloc : memref<!tpu.dma_semaphore, #tpu.memory_space<semaphore_mem>>
        %dma_start3A_16 = tpu.memref_slice %arg2[%add3A_11] : memref<131072xi32, #tpu.memory_space<hbm>> -> memref<128xi32, #tpu.memory_space<hbm>>
        %dma_start3A_17 = tpu.memref_slice %arg2[%add3A_11] : memref<131072xi32, #tpu.memory_space<hbm>> -> memref<128xi32, #tpu.memory_space<hbm>>
        tpu.enqueue_dma source(%dma_start3A_17 : memref<128xi32, #tpu.memory_space<hbm>>) target(%arg5 : memref<128xi32, #tpu.memory_space<vmem>>) target_semaphore(%run_scoped3A : memref<!tpu.dma_semaphore, #tpu.memory_space<semaphore_mem>>)
        %dma_wait3A_18 = tpu.memref_slice %arg2[%add3A_11] : memref<131072xi32, #tpu.memory_space<hbm>> -> memref<128xi32, #tpu.memory_space<hbm>>
        %dma_wait3A_19 = tpu.memref_slice %arg2[%add3A_11] : memref<131072xi32, #tpu.memory_space<hbm>> -> memref<128xi32, #tpu.memory_space<hbm>>
        tpu.wait_dma2 semaphore(%run_scoped3A : memref<!tpu.dma_semaphore, #tpu.memory_space<semaphore_mem>>) src(%dma_wait3A_19 : memref<128xi32, #tpu.memory_space<hbm>>) dst(%arg5 : memref<128xi32, #tpu.memory_space<vmem>>)
        tpu.yield
      }) : () -> ()
      %dma_start3A = arith.constant 0 : i32
      %dma_start3A_12 = arith.constant 0 : i32
      %dma_start3A_13 = tpu.memref_slice %arg3[%dma_start3A, %dma_start3A_12] : memref<8192x128xf32, #tpu.memory_space<hbm>> -> memref<8192x128xf32, #tpu.memory_space<hbm>>
      tpu.enqueue_indirect_dma source(%dma_start3A_13 : memref<8192x128xf32, #tpu.memory_space<hbm>>) target(%arg6 : memref<128x128xf32, #tpu.memory_space<vmem>>) offsets(%arg5 : memref<128xi32, #tpu.memory_space<vmem>>) semaphore(%arg7 : memref<!tpu.dma_semaphore, #tpu.memory_space<semaphore_mem>>)
      %dma_wait3A = arith.constant 0 : i32
      %dma_wait3A_14 = arith.constant 0 : i32
      %dma_wait3A_15 = tpu.memref_slice %arg3[%dma_wait3A, %dma_wait3A_14] : memref<8192x128xf32, #tpu.memory_space<hbm>> -> memref<8192x128xf32, #tpu.memory_space<hbm>>
      tpu.wait_indirect_dma semaphore(%arg7 : memref<!tpu.dma_semaphore, #tpu.memory_space<semaphore_mem>>) src(%dma_wait3A_15 : memref<8192x128xf32, #tpu.memory_space<hbm>>) dst(%arg6 : memref<128x128xf32, #tpu.memory_space<vmem>>)
      "tpu.region"() ({
        %run_scoped3A = tpu.sem_alloc : memref<!tpu.dma_semaphore, #tpu.memory_space<semaphore_mem>>
        %dma_start3A_16 = arith.constant 0 : i32
        %dma_start3A_17 = tpu.memref_slice %arg4[%add3A_11, %dma_start3A_16] : memref<131072x128xf32, #tpu.memory_space<hbm>> -> memref<128x128xf32, #tpu.memory_space<hbm>>
        %dma_start3A_18 = arith.constant 0 : i32
        %dma_start3A_19 = tpu.memref_slice %arg4[%add3A_11, %dma_start3A_18] : memref<131072x128xf32, #tpu.memory_space<hbm>> -> memref<128x128xf32, #tpu.memory_space<hbm>>
        tpu.enqueue_dma source(%arg6 : memref<128x128xf32, #tpu.memory_space<vmem>>) target(%dma_start3A_19 : memref<128x128xf32, #tpu.memory_space<hbm>>) target_semaphore(%run_scoped3A : memref<!tpu.dma_semaphore, #tpu.memory_space<semaphore_mem>>)
        %dma_wait3A_20 = arith.constant 0 : i32
        %dma_wait3A_21 = tpu.memref_slice %arg4[%add3A_11, %dma_wait3A_20] : memref<131072x128xf32, #tpu.memory_space<hbm>> -> memref<128x128xf32, #tpu.memory_space<hbm>>
        %dma_wait3A_22 = arith.constant 0 : i32
        %dma_wait3A_23 = tpu.memref_slice %arg4[%add3A_11, %dma_wait3A_22] : memref<131072x128xf32, #tpu.memory_space<hbm>> -> memref<128x128xf32, #tpu.memory_space<hbm>>
        tpu.wait_dma2 semaphore(%run_scoped3A : memref<!tpu.dma_semaphore, #tpu.memory_space<semaphore_mem>>) src(%arg6 : memref<128x128xf32, #tpu.memory_space<vmem>>) dst(%dma_wait3A_23 : memref<128x128xf32, #tpu.memory_space<hbm>>)
        tpu.yield
      }) : () -> ()
    }
    %scan3A_7 = arith.constant 32 : i32
    return
  }
}

#map = affine_map<(d0, d1) -> (0)>
module attributes {stable_mosaic.version = 14 : i64} {
  func.func @sc_scatter(%arg0: i32, %arg1: i32, %arg2: memref<8192xi32, #tpu.memory_space<hbm>>, %arg3: memref<8192xi32, #tpu.memory_space<hbm>>, %arg4: memref<128xi32, #tpu.memory_space<vmem>>, %arg5: memref<128xi32, #tpu.memory_space<vmem>>, %arg6: memref<!tpu.dma_semaphore, #tpu.memory_space<semaphore_mem>>) attributes {dimension_semantics = [#tpu.dimension_semantics<core_parallel>, #tpu.dimension_semantics<subcore_parallel>], iteration_bounds = array<i64: 2, 16>, scalar_prefetch = 0 : i64, scratch_operands = 3 : i64, tpu.core_type = #tpu.core_type<sc_vector_subcore>, window_params = [{transform_indices = #map}, {transform_indices = #map}]} {
    %mul3A = arith.constant 2 : i32
    %mul3A_0 = arith.muli %arg1, %mul3A : i32
    %add3A = arith.addi %mul3A_0, %arg0 : i32
    %mul3A_1 = arith.constant 256 : i32
    %mul3A_2 = arith.muli %add3A, %mul3A_1 : i32
    %add3A_3 = arith.constant 0 : i32
    %add3A_4 = arith.addi %mul3A_2, %add3A_3 : i32
    "tpu.region"() ({
      %run_scoped3A = tpu.sem_alloc : memref<!tpu.dma_semaphore, #tpu.memory_space<semaphore_mem>>
      %dma_start3A_342 = tpu.memref_slice %arg2[%add3A_4] : memref<8192xi32, #tpu.memory_space<hbm>> -> memref<128xi32, #tpu.memory_space<hbm>>
      %dma_start3A_343 = tpu.memref_slice %arg2[%add3A_4] : memref<8192xi32, #tpu.memory_space<hbm>> -> memref<128xi32, #tpu.memory_space<hbm>>
      tpu.enqueue_dma source(%dma_start3A_343 : memref<128xi32, #tpu.memory_space<hbm>>) target(%arg4 : memref<128xi32, #tpu.memory_space<vmem>>) target_semaphore(%run_scoped3A : memref<!tpu.dma_semaphore, #tpu.memory_space<semaphore_mem>>)
      %dma_wait3A_344 = tpu.memref_slice %arg2[%add3A_4] : memref<8192xi32, #tpu.memory_space<hbm>> -> memref<128xi32, #tpu.memory_space<hbm>>
      %dma_wait3A_345 = tpu.memref_slice %arg2[%add3A_4] : memref<8192xi32, #tpu.memory_space<hbm>> -> memref<128xi32, #tpu.memory_space<hbm>>
      tpu.wait_dma2 semaphore(%run_scoped3A : memref<!tpu.dma_semaphore, #tpu.memory_space<semaphore_mem>>) src(%dma_wait3A_345 : memref<128xi32, #tpu.memory_space<hbm>>) dst(%arg4 : memref<128xi32, #tpu.memory_space<vmem>>)
      tpu.yield
    }) : () -> ()
    %jit3A = arith.constant 4096 : i32
    %div3A = arith.divsi %add3A_4, %jit3A : i32
    %sign3A = arith.constant 0 : i32
    %sign3A_5 = arith.cmpi sgt, %add3A_4, %sign3A : i32
    %sign3A_6 = arith.extui %sign3A_5 : i1 to i32
    %sign3A_7 = arith.constant 0 : i32
    %sign3A_8 = arith.cmpi slt, %add3A_4, %sign3A_7 : i32
    %sign3A_9 = arith.extui %sign3A_8 : i1 to i32
    %sign3A_10 = arith.subi %sign3A_6, %sign3A_9 : i32
    %sign3A_11 = arith.constant 0 : i32
    %sign3A_12 = arith.cmpi sgt, %jit3A, %sign3A_11 : i32
    %sign3A_13 = arith.extui %sign3A_12 : i1 to i32
    %sign3A_14 = arith.constant 0 : i32
    %sign3A_15 = arith.cmpi slt, %jit3A, %sign3A_14 : i32
    %sign3A_16 = arith.extui %sign3A_15 : i1 to i32
    %sign3A_17 = arith.subi %sign3A_13, %sign3A_16 : i32
    %ne3A = arith.cmpi ne, %sign3A_10, %sign3A_17 : i32
    %rem3A = arith.remsi %add3A_4, %jit3A : i32
    %ne3A_18 = arith.constant 0 : i32
    %ne3A_19 = arith.cmpi ne, %rem3A, %ne3A_18 : i32
    %and3A = arith.andi %ne3A, %ne3A_19 : i1
    %sub3A = arith.constant 1 : i32
    %sub3A_20 = arith.subi %div3A, %sub3A : i32
    %select_n3A = arith.select %and3A, %sub3A_20, %div3A : i32
    %mul3A_21 = arith.constant 4096 : i32
    %mul3A_22 = arith.muli %select_n3A, %mul3A_21 : i32
    %iota3A = tpu.iota {dimensions = array<i32: 0>} : vector<16xi32>
    %add3A_23 = arith.constant 0 : i32
    %add3A_24 = arith.addi %add3A_4, %add3A_23 : i32
    %add3A_25 = vector.broadcast %add3A_24 : i32 to vector<16xi32>
    %add3A_26 = arith.addi %iota3A, %add3A_25 : vector<16xi32>
    %swap3A = arith.constant 0 : index
    %swap3A_27 = tpu.vector_load %arg5[%swap3A] {strides = array<i32>} : memref<128xi32, #tpu.memory_space<vmem>>, vector<16xi32>,
    %swap3A_28 = vector.shape_cast %swap3A_27 : vector<16xi32> to vector<16xi32>
    %swap3A_29 = vector.shape_cast %add3A_26 : vector<16xi32> to vector<16xi32>
    tpu.vector_store %arg5[%swap3A], %swap3A_29 {strides = array<i32>} : memref<128xi32, #tpu.memory_space<vmem>>, vector<16xi32>,
    %get3A = arith.constant 0 : index
    %get3A_30 = tpu.vector_load %arg4[%get3A] {strides = array<i32>} : memref<128xi32, #tpu.memory_space<vmem>>, vector<16xi32>,
    %get3A_31 = vector.shape_cast %get3A_30 : vector<16xi32> to vector<16xi32>
    %add3A_32 = vector.broadcast %mul3A_22 : i32 to vector<16xi32>
    %add3A_33 = arith.addi %get3A_31, %add3A_32 : vector<16xi32>
    %swap3A_34 = arith.constant 0 : index
    %swap3A_35 = tpu.vector_load %arg4[%swap3A_34] {strides = array<i32>} : memref<128xi32, #tpu.memory_space<vmem>>, vector<16xi32>,
    %swap3A_36 = vector.shape_cast %swap3A_35 : vector<16xi32> to vector<16xi32>
    %swap3A_37 = vector.shape_cast %add3A_33 : vector<16xi32> to vector<16xi32>
    tpu.vector_store %arg4[%swap3A_34], %swap3A_37 {strides = array<i32>} : memref<128xi32, #tpu.memory_space<vmem>>, vector<16xi32>,
    %iota3A_38 = tpu.iota {dimensions = array<i32: 0>} : vector<16xi32>
    %add3A_39 = arith.constant 16 : i32
    %add3A_40 = arith.addi %add3A_4, %add3A_39 : i32
    %add3A_41 = vector.broadcast %add3A_40 : i32 to vector<16xi32>
    %add3A_42 = arith.addi %iota3A_38, %add3A_41 : vector<16xi32>
    %swap3A_43 = arith.constant 16 : index
    %swap3A_44 = tpu.vector_load %arg5[%swap3A_43] {strides = array<i32>} : memref<128xi32, #tpu.memory_space<vmem>>, vector<16xi32>,
    %swap3A_45 = vector.shape_cast %swap3A_44 : vector<16xi32> to vector<16xi32>
    %swap3A_46 = vector.shape_cast %add3A_42 : vector<16xi32> to vector<16xi32>
    tpu.vector_store %arg5[%swap3A_43], %swap3A_46 {strides = array<i32>} : memref<128xi32, #tpu.memory_space<vmem>>, vector<16xi32>,
    %get3A_47 = arith.constant 16 : index
    %get3A_48 = tpu.vector_load %arg4[%get3A_47] {strides = array<i32>} : memref<128xi32, #tpu.memory_space<vmem>>, vector<16xi32>,
    %get3A_49 = vector.shape_cast %get3A_48 : vector<16xi32> to vector<16xi32>
    %add3A_50 = vector.broadcast %mul3A_22 : i32 to vector<16xi32>
    %add3A_51 = arith.addi %get3A_49, %add3A_50 : vector<16xi32>
    %swap3A_52 = arith.constant 16 : index
    %swap3A_53 = tpu.vector_load %arg4[%swap3A_52] {strides = array<i32>} : memref<128xi32, #tpu.memory_space<vmem>>, vector<16xi32>,
    %swap3A_54 = vector.shape_cast %swap3A_53 : vector<16xi32> to vector<16xi32>
    %swap3A_55 = vector.shape_cast %add3A_51 : vector<16xi32> to vector<16xi32>
    tpu.vector_store %arg4[%swap3A_52], %swap3A_55 {strides = array<i32>} : memref<128xi32, #tpu.memory_space<vmem>>, vector<16xi32>,
    %iota3A_56 = tpu.iota {dimensions = array<i32: 0>} : vector<16xi32>
    %add3A_57 = arith.constant 32 : i32
    %add3A_58 = arith.addi %add3A_4, %add3A_57 : i32
    %add3A_59 = vector.broadcast %add3A_58 : i32 to vector<16xi32>
    %add3A_60 = arith.addi %iota3A_56, %add3A_59 : vector<16xi32>
    %swap3A_61 = arith.constant 32 : index
    %swap3A_62 = tpu.vector_load %arg5[%swap3A_61] {strides = array<i32>} : memref<128xi32, #tpu.memory_space<vmem>>, vector<16xi32>,
    %swap3A_63 = vector.shape_cast %swap3A_62 : vector<16xi32> to vector<16xi32>
    %swap3A_64 = vector.shape_cast %add3A_60 : vector<16xi32> to vector<16xi32>
    tpu.vector_store %arg5[%swap3A_61], %swap3A_64 {strides = array<i32>} : memref<128xi32, #tpu.memory_space<vmem>>, vector<16xi32>,
    %get3A_65 = arith.constant 32 : index
    %get3A_66 = tpu.vector_load %arg4[%get3A_65] {strides = array<i32>} : memref<128xi32, #tpu.memory_space<vmem>>, vector<16xi32>,
    %get3A_67 = vector.shape_cast %get3A_66 : vector<16xi32> to vector<16xi32>
    %add3A_68 = vector.broadcast %mul3A_22 : i32 to vector<16xi32>
    %add3A_69 = arith.addi %get3A_67, %add3A_68 : vector<16xi32>
    %swap3A_70 = arith.constant 32 : index
    %swap3A_71 = tpu.vector_load %arg4[%swap3A_70] {strides = array<i32>} : memref<128xi32, #tpu.memory_space<vmem>>, vector<16xi32>,
    %swap3A_72 = vector.shape_cast %swap3A_71 : vector<16xi32> to vector<16xi32>
    %swap3A_73 = vector.shape_cast %add3A_69 : vector<16xi32> to vector<16xi32>
    tpu.vector_store %arg4[%swap3A_70], %swap3A_73 {strides = array<i32>} : memref<128xi32, #tpu.memory_space<vmem>>, vector<16xi32>,
    %iota3A_74 = tpu.iota {dimensions = array<i32: 0>} : vector<16xi32>
    %add3A_75 = arith.constant 48 : i32
    %add3A_76 = arith.addi %add3A_4, %add3A_75 : i32
    %add3A_77 = vector.broadcast %add3A_76 : i32 to vector<16xi32>
    %add3A_78 = arith.addi %iota3A_74, %add3A_77 : vector<16xi32>
    %swap3A_79 = arith.constant 48 : index
    %swap3A_80 = tpu.vector_load %arg5[%swap3A_79] {strides = array<i32>} : memref<128xi32, #tpu.memory_space<vmem>>, vector<16xi32>,
    %swap3A_81 = vector.shape_cast %swap3A_80 : vector<16xi32> to vector<16xi32>
    %swap3A_82 = vector.shape_cast %add3A_78 : vector<16xi32> to vector<16xi32>
    tpu.vector_store %arg5[%swap3A_79], %swap3A_82 {strides = array<i32>} : memref<128xi32, #tpu.memory_space<vmem>>, vector<16xi32>,
    %get3A_83 = arith.constant 48 : index
    %get3A_84 = tpu.vector_load %arg4[%get3A_83] {strides = array<i32>} : memref<128xi32, #tpu.memory_space<vmem>>, vector<16xi32>,
    %get3A_85 = vector.shape_cast %get3A_84 : vector<16xi32> to vector<16xi32>
    %add3A_86 = vector.broadcast %mul3A_22 : i32 to vector<16xi32>
    %add3A_87 = arith.addi %get3A_85, %add3A_86 : vector<16xi32>
    %swap3A_88 = arith.constant 48 : index
    %swap3A_89 = tpu.vector_load %arg4[%swap3A_88] {strides = array<i32>} : memref<128xi32, #tpu.memory_space<vmem>>, vector<16xi32>,
    %swap3A_90 = vector.shape_cast %swap3A_89 : vector<16xi32> to vector<16xi32>
    %swap3A_91 = vector.shape_cast %add3A_87 : vector<16xi32> to vector<16xi32>
    tpu.vector_store %arg4[%swap3A_88], %swap3A_91 {strides = array<i32>} : memref<128xi32, #tpu.memory_space<vmem>>, vector<16xi32>,
    %iota3A_92 = tpu.iota {dimensions = array<i32: 0>} : vector<16xi32>
    %add3A_93 = arith.constant 64 : i32
    %add3A_94 = arith.addi %add3A_4, %add3A_93 : i32
    %add3A_95 = vector.broadcast %add3A_94 : i32 to vector<16xi32>
    %add3A_96 = arith.addi %iota3A_92, %add3A_95 : vector<16xi32>
    %swap3A_97 = arith.constant 64 : index
    %swap3A_98 = tpu.vector_load %arg5[%swap3A_97] {strides = array<i32>} : memref<128xi32, #tpu.memory_space<vmem>>, vector<16xi32>,
    %swap3A_99 = vector.shape_cast %swap3A_98 : vector<16xi32> to vector<16xi32>
    %swap3A_100 = vector.shape_cast %add3A_96 : vector<16xi32> to vector<16xi32>
    tpu.vector_store %arg5[%swap3A_97], %swap3A_100 {strides = array<i32>} : memref<128xi32, #tpu.memory_space<vmem>>, vector<16xi32>,
    %get3A_101 = arith.constant 64 : index
    %get3A_102 = tpu.vector_load %arg4[%get3A_101] {strides = array<i32>} : memref<128xi32, #tpu.memory_space<vmem>>, vector<16xi32>,
    %get3A_103 = vector.shape_cast %get3A_102 : vector<16xi32> to vector<16xi32>
    %add3A_104 = vector.broadcast %mul3A_22 : i32 to vector<16xi32>
    %add3A_105 = arith.addi %get3A_103, %add3A_104 : vector<16xi32>
    %swap3A_106 = arith.constant 64 : index
    %swap3A_107 = tpu.vector_load %arg4[%swap3A_106] {strides = array<i32>} : memref<128xi32, #tpu.memory_space<vmem>>, vector<16xi32>,
    %swap3A_108 = vector.shape_cast %swap3A_107 : vector<16xi32> to vector<16xi32>
    %swap3A_109 = vector.shape_cast %add3A_105 : vector<16xi32> to vector<16xi32>
    tpu.vector_store %arg4[%swap3A_106], %swap3A_109 {strides = array<i32>} : memref<128xi32, #tpu.memory_space<vmem>>, vector<16xi32>,
    %iota3A_110 = tpu.iota {dimensions = array<i32: 0>} : vector<16xi32>
    %add3A_111 = arith.constant 80 : i32
    %add3A_112 = arith.addi %add3A_4, %add3A_111 : i32
    %add3A_113 = vector.broadcast %add3A_112 : i32 to vector<16xi32>
    %add3A_114 = arith.addi %iota3A_110, %add3A_113 : vector<16xi32>
    %swap3A_115 = arith.constant 80 : index
    %swap3A_116 = tpu.vector_load %arg5[%swap3A_115] {strides = array<i32>} : memref<128xi32, #tpu.memory_space<vmem>>, vector<16xi32>,
    %swap3A_117 = vector.shape_cast %swap3A_116 : vector<16xi32> to vector<16xi32>
    %swap3A_118 = vector.shape_cast %add3A_114 : vector<16xi32> to vector<16xi32>
    tpu.vector_store %arg5[%swap3A_115], %swap3A_118 {strides = array<i32>} : memref<128xi32, #tpu.memory_space<vmem>>, vector<16xi32>,
    %get3A_119 = arith.constant 80 : index
    %get3A_120 = tpu.vector_load %arg4[%get3A_119] {strides = array<i32>} : memref<128xi32, #tpu.memory_space<vmem>>, vector<16xi32>,
    %get3A_121 = vector.shape_cast %get3A_120 : vector<16xi32> to vector<16xi32>
    %add3A_122 = vector.broadcast %mul3A_22 : i32 to vector<16xi32>
    %add3A_123 = arith.addi %get3A_121, %add3A_122 : vector<16xi32>
    %swap3A_124 = arith.constant 80 : index
    %swap3A_125 = tpu.vector_load %arg4[%swap3A_124] {strides = array<i32>} : memref<128xi32, #tpu.memory_space<vmem>>, vector<16xi32>,
    %swap3A_126 = vector.shape_cast %swap3A_125 : vector<16xi32> to vector<16xi32>
    %swap3A_127 = vector.shape_cast %add3A_123 : vector<16xi32> to vector<16xi32>
    tpu.vector_store %arg4[%swap3A_124], %swap3A_127 {strides = array<i32>} : memref<128xi32, #tpu.memory_space<vmem>>, vector<16xi32>,
    %iota3A_128 = tpu.iota {dimensions = array<i32: 0>} : vector<16xi32>
    %add3A_129 = arith.constant 96 : i32
    %add3A_130 = arith.addi %add3A_4, %add3A_129 : i32
    %add3A_131 = vector.broadcast %add3A_130 : i32 to vector<16xi32>
    %add3A_132 = arith.addi %iota3A_128, %add3A_131 : vector<16xi32>
    %swap3A_133 = arith.constant 96 : index
    %swap3A_134 = tpu.vector_load %arg5[%swap3A_133] {strides = array<i32>} : memref<128xi32, #tpu.memory_space<vmem>>, vector<16xi32>,
    %swap3A_135 = vector.shape_cast %swap3A_134 : vector<16xi32> to vector<16xi32>
    %swap3A_136 = vector.shape_cast %add3A_132 : vector<16xi32> to vector<16xi32>
    tpu.vector_store %arg5[%swap3A_133], %swap3A_136 {strides = array<i32>} : memref<128xi32, #tpu.memory_space<vmem>>, vector<16xi32>,
    %get3A_137 = arith.constant 96 : index
    %get3A_138 = tpu.vector_load %arg4[%get3A_137] {strides = array<i32>} : memref<128xi32, #tpu.memory_space<vmem>>, vector<16xi32>,
    %get3A_139 = vector.shape_cast %get3A_138 : vector<16xi32> to vector<16xi32>
    %add3A_140 = vector.broadcast %mul3A_22 : i32 to vector<16xi32>
    %add3A_141 = arith.addi %get3A_139, %add3A_140 : vector<16xi32>
    %swap3A_142 = arith.constant 96 : index
    %swap3A_143 = tpu.vector_load %arg4[%swap3A_142] {strides = array<i32>} : memref<128xi32, #tpu.memory_space<vmem>>, vector<16xi32>,
    %swap3A_144 = vector.shape_cast %swap3A_143 : vector<16xi32> to vector<16xi32>
    %swap3A_145 = vector.shape_cast %add3A_141 : vector<16xi32> to vector<16xi32>
    tpu.vector_store %arg4[%swap3A_142], %swap3A_145 {strides = array<i32>} : memref<128xi32, #tpu.memory_space<vmem>>, vector<16xi32>,
    %iota3A_146 = tpu.iota {dimensions = array<i32: 0>} : vector<16xi32>
    %add3A_147 = arith.constant 112 : i32
    %add3A_148 = arith.addi %add3A_4, %add3A_147 : i32
    %add3A_149 = vector.broadcast %add3A_148 : i32 to vector<16xi32>
    %add3A_150 = arith.addi %iota3A_146, %add3A_149 : vector<16xi32>
    %swap3A_151 = arith.constant 112 : index
    %swap3A_152 = tpu.vector_load %arg5[%swap3A_151] {strides = array<i32>} : memref<128xi32, #tpu.memory_space<vmem>>, vector<16xi32>,
    %swap3A_153 = vector.shape_cast %swap3A_152 : vector<16xi32> to vector<16xi32>
    %swap3A_154 = vector.shape_cast %add3A_150 : vector<16xi32> to vector<16xi32>
    tpu.vector_store %arg5[%swap3A_151], %swap3A_154 {strides = array<i32>} : memref<128xi32, #tpu.memory_space<vmem>>, vector<16xi32>,
    %get3A_155 = arith.constant 112 : index
    %get3A_156 = tpu.vector_load %arg4[%get3A_155] {strides = array<i32>} : memref<128xi32, #tpu.memory_space<vmem>>, vector<16xi32>,
    %get3A_157 = vector.shape_cast %get3A_156 : vector<16xi32> to vector<16xi32>
    %add3A_158 = vector.broadcast %mul3A_22 : i32 to vector<16xi32>
    %add3A_159 = arith.addi %get3A_157, %add3A_158 : vector<16xi32>
    %swap3A_160 = arith.constant 112 : index
    %swap3A_161 = tpu.vector_load %arg4[%swap3A_160] {strides = array<i32>} : memref<128xi32, #tpu.memory_space<vmem>>, vector<16xi32>,
    %swap3A_162 = vector.shape_cast %swap3A_161 : vector<16xi32> to vector<16xi32>
    %swap3A_163 = vector.shape_cast %add3A_159 : vector<16xi32> to vector<16xi32>
    tpu.vector_store %arg4[%swap3A_160], %swap3A_163 {strides = array<i32>} : memref<128xi32, #tpu.memory_space<vmem>>, vector<16xi32>,
    %dma_start3A = arith.constant 0 : i32
    %dma_start3A_164 = tpu.memref_slice %arg3[%dma_start3A] : memref<8192xi32, #tpu.memory_space<hbm>> -> memref<8192xi32, #tpu.memory_space<hbm>>
    tpu.enqueue_indirect_dma source(%arg5 : memref<128xi32, #tpu.memory_space<vmem>>) target(%dma_start3A_164 : memref<8192xi32, #tpu.memory_space<hbm>>) offsets(%arg4 : memref<128xi32, #tpu.memory_space<vmem>>) semaphore(%arg6 : memref<!tpu.dma_semaphore, #tpu.memory_space<semaphore_mem>>)
    %dma_wait3A = arith.constant 0 : i32
    %dma_wait3A_165 = tpu.memref_slice %arg3[%dma_wait3A] : memref<8192xi32, #tpu.memory_space<hbm>> -> memref<8192xi32, #tpu.memory_space<hbm>>
    tpu.wait_indirect_dma semaphore(%arg6 : memref<!tpu.dma_semaphore, #tpu.memory_space<semaphore_mem>>) src(%arg5 : memref<128xi32, #tpu.memory_space<vmem>>) dst(%dma_wait3A_165 : memref<8192xi32, #tpu.memory_space<hbm>>)
    %add3A_166 = arith.constant 128 : i32
    %add3A_167 = arith.addi %mul3A_2, %add3A_166 : i32
    "tpu.region"() ({
      %run_scoped3A = tpu.sem_alloc : memref<!tpu.dma_semaphore, #tpu.memory_space<semaphore_mem>>
      %dma_start3A_342 = tpu.memref_slice %arg2[%add3A_167] : memref<8192xi32, #tpu.memory_space<hbm>> -> memref<128xi32, #tpu.memory_space<hbm>>
      %dma_start3A_343 = tpu.memref_slice %arg2[%add3A_167] : memref<8192xi32, #tpu.memory_space<hbm>> -> memref<128xi32, #tpu.memory_space<hbm>>
      tpu.enqueue_dma source(%dma_start3A_343 : memref<128xi32, #tpu.memory_space<hbm>>) target(%arg4 : memref<128xi32, #tpu.memory_space<vmem>>) target_semaphore(%run_scoped3A : memref<!tpu.dma_semaphore, #tpu.memory_space<semaphore_mem>>)
      %dma_wait3A_344 = tpu.memref_slice %arg2[%add3A_167] : memref<8192xi32, #tpu.memory_space<hbm>> -> memref<128xi32, #tpu.memory_space<hbm>>
      %dma_wait3A_345 = tpu.memref_slice %arg2[%add3A_167] : memref<8192xi32, #tpu.memory_space<hbm>> -> memref<128xi32, #tpu.memory_space<hbm>>
      tpu.wait_dma2 semaphore(%run_scoped3A : memref<!tpu.dma_semaphore, #tpu.memory_space<semaphore_mem>>) src(%dma_wait3A_345 : memref<128xi32, #tpu.memory_space<hbm>>) dst(%arg4 : memref<128xi32, #tpu.memory_space<vmem>>)
      tpu.yield
    }) : () -> ()
    %jit3A_168 = arith.constant 4096 : i32
    %div3A_169 = arith.divsi %add3A_167, %jit3A_168 : i32
    %sign3A_170 = arith.constant 0 : i32
    %sign3A_171 = arith.cmpi sgt, %add3A_167, %sign3A_170 : i32
    %sign3A_172 = arith.extui %sign3A_171 : i1 to i32
    %sign3A_173 = arith.constant 0 : i32
    %sign3A_174 = arith.cmpi slt, %add3A_167, %sign3A_173 : i32
    %sign3A_175 = arith.extui %sign3A_174 : i1 to i32
    %sign3A_176 = arith.subi %sign3A_172, %sign3A_175 : i32
    %sign3A_177 = arith.constant 0 : i32
    %sign3A_178 = arith.cmpi sgt, %jit3A_168, %sign3A_177 : i32
    %sign3A_179 = arith.extui %sign3A_178 : i1 to i32
    %sign3A_180 = arith.constant 0 : i32
    %sign3A_181 = arith.cmpi slt, %jit3A_168, %sign3A_180 : i32
    %sign3A_182 = arith.extui %sign3A_181 : i1 to i32
    %sign3A_183 = arith.subi %sign3A_179, %sign3A_182 : i32
    %ne3A_184 = arith.cmpi ne, %sign3A_176, %sign3A_183 : i32
    %rem3A_185 = arith.remsi %add3A_167, %jit3A_168 : i32
    %ne3A_186 = arith.constant 0 : i32
    %ne3A_187 = arith.cmpi ne, %rem3A_185, %ne3A_186 : i32
    %and3A_188 = arith.andi %ne3A_184, %ne3A_187 : i1
    %sub3A_189 = arith.constant 1 : i32
    %sub3A_190 = arith.subi %div3A_169, %sub3A_189 : i32
    %select_n3A_191 = arith.select %and3A_188, %sub3A_190, %div3A_169 : i32
    %mul3A_192 = arith.constant 4096 : i32
    %mul3A_193 = arith.muli %select_n3A_191, %mul3A_192 : i32
    %iota3A_194 = tpu.iota {dimensions = array<i32: 0>} : vector<16xi32>
    %add3A_195 = arith.constant 0 : i32
    %add3A_196 = arith.addi %add3A_167, %add3A_195 : i32
    %add3A_197 = vector.broadcast %add3A_196 : i32 to vector<16xi32>
    %add3A_198 = arith.addi %iota3A_194, %add3A_197 : vector<16xi32>
    %swap3A_199 = arith.constant 0 : index
    %swap3A_200 = tpu.vector_load %arg5[%swap3A_199] {strides = array<i32>} : memref<128xi32, #tpu.memory_space<vmem>>, vector<16xi32>,
    %swap3A_201 = vector.shape_cast %swap3A_200 : vector<16xi32> to vector<16xi32>
    %swap3A_202 = vector.shape_cast %add3A_198 : vector<16xi32> to vector<16xi32>
    tpu.vector_store %arg5[%swap3A_199], %swap3A_202 {strides = array<i32>} : memref<128xi32, #tpu.memory_space<vmem>>, vector<16xi32>,
    %get3A_203 = arith.constant 0 : index
    %get3A_204 = tpu.vector_load %arg4[%get3A_203] {strides = array<i32>} : memref<128xi32, #tpu.memory_space<vmem>>, vector<16xi32>,
    %get3A_205 = vector.shape_cast %get3A_204 : vector<16xi32> to vector<16xi32>
    %add3A_206 = vector.broadcast %mul3A_193 : i32 to vector<16xi32>
    %add3A_207 = arith.addi %get3A_205, %add3A_206 : vector<16xi32>
    %swap3A_208 = arith.constant 0 : index
    %swap3A_209 = tpu.vector_load %arg4[%swap3A_208] {strides = array<i32>} : memref<128xi32, #tpu.memory_space<vmem>>, vector<16xi32>,
    %swap3A_210 = vector.shape_cast %swap3A_209 : vector<16xi32> to vector<16xi32>
    %swap3A_211 = vector.shape_cast %add3A_207 : vector<16xi32> to vector<16xi32>
    tpu.vector_store %arg4[%swap3A_208], %swap3A_211 {strides = array<i32>} : memref<128xi32, #tpu.memory_space<vmem>>, vector<16xi32>,
    %iota3A_212 = tpu.iota {dimensions = array<i32: 0>} : vector<16xi32>
    %add3A_213 = arith.constant 16 : i32
    %add3A_214 = arith.addi %add3A_167, %add3A_213 : i32
    %add3A_215 = vector.broadcast %add3A_214 : i32 to vector<16xi32>
    %add3A_216 = arith.addi %iota3A_212, %add3A_215 : vector<16xi32>
    %swap3A_217 = arith.constant 16 : index
    %swap3A_218 = tpu.vector_load %arg5[%swap3A_217] {strides = array<i32>} : memref<128xi32, #tpu.memory_space<vmem>>, vector<16xi32>,
    %swap3A_219 = vector.shape_cast %swap3A_218 : vector<16xi32> to vector<16xi32>
    %swap3A_220 = vector.shape_cast %add3A_216 : vector<16xi32> to vector<16xi32>
    tpu.vector_store %arg5[%swap3A_217], %swap3A_220 {strides = array<i32>} : memref<128xi32, #tpu.memory_space<vmem>>, vector<16xi32>,
    %get3A_221 = arith.constant 16 : index
    %get3A_222 = tpu.vector_load %arg4[%get3A_221] {strides = array<i32>} : memref<128xi32, #tpu.memory_space<vmem>>, vector<16xi32>,
    %get3A_223 = vector.shape_cast %get3A_222 : vector<16xi32> to vector<16xi32>
    %add3A_224 = vector.broadcast %mul3A_193 : i32 to vector<16xi32>
    %add3A_225 = arith.addi %get3A_223, %add3A_224 : vector<16xi32>
    %swap3A_226 = arith.constant 16 : index
    %swap3A_227 = tpu.vector_load %arg4[%swap3A_226] {strides = array<i32>} : memref<128xi32, #tpu.memory_space<vmem>>, vector<16xi32>,
    %swap3A_228 = vector.shape_cast %swap3A_227 : vector<16xi32> to vector<16xi32>
    %swap3A_229 = vector.shape_cast %add3A_225 : vector<16xi32> to vector<16xi32>
    tpu.vector_store %arg4[%swap3A_226], %swap3A_229 {strides = array<i32>} : memref<128xi32, #tpu.memory_space<vmem>>, vector<16xi32>,
    %iota3A_230 = tpu.iota {dimensions = array<i32: 0>} : vector<16xi32>
    %add3A_231 = arith.constant 32 : i32
    %add3A_232 = arith.addi %add3A_167, %add3A_231 : i32
    %add3A_233 = vector.broadcast %add3A_232 : i32 to vector<16xi32>
    %add3A_234 = arith.addi %iota3A_230, %add3A_233 : vector<16xi32>
    %swap3A_235 = arith.constant 32 : index
    %swap3A_236 = tpu.vector_load %arg5[%swap3A_235] {strides = array<i32>} : memref<128xi32, #tpu.memory_space<vmem>>, vector<16xi32>,
    %swap3A_237 = vector.shape_cast %swap3A_236 : vector<16xi32> to vector<16xi32>
    %swap3A_238 = vector.shape_cast %add3A_234 : vector<16xi32> to vector<16xi32>
    tpu.vector_store %arg5[%swap3A_235], %swap3A_238 {strides = array<i32>} : memref<128xi32, #tpu.memory_space<vmem>>, vector<16xi32>,
    %get3A_239 = arith.constant 32 : index
    %get3A_240 = tpu.vector_load %arg4[%get3A_239] {strides = array<i32>} : memref<128xi32, #tpu.memory_space<vmem>>, vector<16xi32>,
    %get3A_241 = vector.shape_cast %get3A_240 : vector<16xi32> to vector<16xi32>
    %add3A_242 = vector.broadcast %mul3A_193 : i32 to vector<16xi32>
    %add3A_243 = arith.addi %get3A_241, %add3A_242 : vector<16xi32>
    %swap3A_244 = arith.constant 32 : index
    %swap3A_245 = tpu.vector_load %arg4[%swap3A_244] {strides = array<i32>} : memref<128xi32, #tpu.memory_space<vmem>>, vector<16xi32>,
    %swap3A_246 = vector.shape_cast %swap3A_245 : vector<16xi32> to vector<16xi32>
    %swap3A_247 = vector.shape_cast %add3A_243 : vector<16xi32> to vector<16xi32>
    tpu.vector_store %arg4[%swap3A_244], %swap3A_247 {strides = array<i32>} : memref<128xi32, #tpu.memory_space<vmem>>, vector<16xi32>,
    %iota3A_248 = tpu.iota {dimensions = array<i32: 0>} : vector<16xi32>
    %add3A_249 = arith.constant 48 : i32
    %add3A_250 = arith.addi %add3A_167, %add3A_249 : i32
    %add3A_251 = vector.broadcast %add3A_250 : i32 to vector<16xi32>
    %add3A_252 = arith.addi %iota3A_248, %add3A_251 : vector<16xi32>
    %swap3A_253 = arith.constant 48 : index
    %swap3A_254 = tpu.vector_load %arg5[%swap3A_253] {strides = array<i32>} : memref<128xi32, #tpu.memory_space<vmem>>, vector<16xi32>,
    %swap3A_255 = vector.shape_cast %swap3A_254 : vector<16xi32> to vector<16xi32>
    %swap3A_256 = vector.shape_cast %add3A_252 : vector<16xi32> to vector<16xi32>
    tpu.vector_store %arg5[%swap3A_253], %swap3A_256 {strides = array<i32>} : memref<128xi32, #tpu.memory_space<vmem>>, vector<16xi32>,
    %get3A_257 = arith.constant 48 : index
    %get3A_258 = tpu.vector_load %arg4[%get3A_257] {strides = array<i32>} : memref<128xi32, #tpu.memory_space<vmem>>, vector<16xi32>,
    %get3A_259 = vector.shape_cast %get3A_258 : vector<16xi32> to vector<16xi32>
    %add3A_260 = vector.broadcast %mul3A_193 : i32 to vector<16xi32>
    %add3A_261 = arith.addi %get3A_259, %add3A_260 : vector<16xi32>
    %swap3A_262 = arith.constant 48 : index
    %swap3A_263 = tpu.vector_load %arg4[%swap3A_262] {strides = array<i32>} : memref<128xi32, #tpu.memory_space<vmem>>, vector<16xi32>,
    %swap3A_264 = vector.shape_cast %swap3A_263 : vector<16xi32> to vector<16xi32>
    %swap3A_265 = vector.shape_cast %add3A_261 : vector<16xi32> to vector<16xi32>
    tpu.vector_store %arg4[%swap3A_262], %swap3A_265 {strides = array<i32>} : memref<128xi32, #tpu.memory_space<vmem>>, vector<16xi32>,
    %iota3A_266 = tpu.iota {dimensions = array<i32: 0>} : vector<16xi32>
    %add3A_267 = arith.constant 64 : i32
    %add3A_268 = arith.addi %add3A_167, %add3A_267 : i32
    %add3A_269 = vector.broadcast %add3A_268 : i32 to vector<16xi32>
    %add3A_270 = arith.addi %iota3A_266, %add3A_269 : vector<16xi32>
    %swap3A_271 = arith.constant 64 : index
    %swap3A_272 = tpu.vector_load %arg5[%swap3A_271] {strides = array<i32>} : memref<128xi32, #tpu.memory_space<vmem>>, vector<16xi32>,
    %swap3A_273 = vector.shape_cast %swap3A_272 : vector<16xi32> to vector<16xi32>
    %swap3A_274 = vector.shape_cast %add3A_270 : vector<16xi32> to vector<16xi32>
    tpu.vector_store %arg5[%swap3A_271], %swap3A_274 {strides = array<i32>} : memref<128xi32, #tpu.memory_space<vmem>>, vector<16xi32>,
    %get3A_275 = arith.constant 64 : index
    %get3A_276 = tpu.vector_load %arg4[%get3A_275] {strides = array<i32>} : memref<128xi32, #tpu.memory_space<vmem>>, vector<16xi32>,
    %get3A_277 = vector.shape_cast %get3A_276 : vector<16xi32> to vector<16xi32>
    %add3A_278 = vector.broadcast %mul3A_193 : i32 to vector<16xi32>
    %add3A_279 = arith.addi %get3A_277, %add3A_278 : vector<16xi32>
    %swap3A_280 = arith.constant 64 : index
    %swap3A_281 = tpu.vector_load %arg4[%swap3A_280] {strides = array<i32>} : memref<128xi32, #tpu.memory_space<vmem>>, vector<16xi32>,
    %swap3A_282 = vector.shape_cast %swap3A_281 : vector<16xi32> to vector<16xi32>
    %swap3A_283 = vector.shape_cast %add3A_279 : vector<16xi32> to vector<16xi32>
    tpu.vector_store %arg4[%swap3A_280], %swap3A_283 {strides = array<i32>} : memref<128xi32, #tpu.memory_space<vmem>>, vector<16xi32>,
    %iota3A_284 = tpu.iota {dimensions = array<i32: 0>} : vector<16xi32>
    %add3A_285 = arith.constant 80 : i32
    %add3A_286 = arith.addi %add3A_167, %add3A_285 : i32
    %add3A_287 = vector.broadcast %add3A_286 : i32 to vector<16xi32>
    %add3A_288 = arith.addi %iota3A_284, %add3A_287 : vector<16xi32>
    %swap3A_289 = arith.constant 80 : index
    %swap3A_290 = tpu.vector_load %arg5[%swap3A_289] {strides = array<i32>} : memref<128xi32, #tpu.memory_space<vmem>>, vector<16xi32>,
    %swap3A_291 = vector.shape_cast %swap3A_290 : vector<16xi32> to vector<16xi32>
    %swap3A_292 = vector.shape_cast %add3A_288 : vector<16xi32> to vector<16xi32>
    tpu.vector_store %arg5[%swap3A_289], %swap3A_292 {strides = array<i32>} : memref<128xi32, #tpu.memory_space<vmem>>, vector<16xi32>,
    %get3A_293 = arith.constant 80 : index
    %get3A_294 = tpu.vector_load %arg4[%get3A_293] {strides = array<i32>} : memref<128xi32, #tpu.memory_space<vmem>>, vector<16xi32>,
    %get3A_295 = vector.shape_cast %get3A_294 : vector<16xi32> to vector<16xi32>
    %add3A_296 = vector.broadcast %mul3A_193 : i32 to vector<16xi32>
    %add3A_297 = arith.addi %get3A_295, %add3A_296 : vector<16xi32>
    %swap3A_298 = arith.constant 80 : index
    %swap3A_299 = tpu.vector_load %arg4[%swap3A_298] {strides = array<i32>} : memref<128xi32, #tpu.memory_space<vmem>>, vector<16xi32>,
    %swap3A_300 = vector.shape_cast %swap3A_299 : vector<16xi32> to vector<16xi32>
    %swap3A_301 = vector.shape_cast %add3A_297 : vector<16xi32> to vector<16xi32>
    tpu.vector_store %arg4[%swap3A_298], %swap3A_301 {strides = array<i32>} : memref<128xi32, #tpu.memory_space<vmem>>, vector<16xi32>,
    %iota3A_302 = tpu.iota {dimensions = array<i32: 0>} : vector<16xi32>
    %add3A_303 = arith.constant 96 : i32
    %add3A_304 = arith.addi %add3A_167, %add3A_303 : i32
    %add3A_305 = vector.broadcast %add3A_304 : i32 to vector<16xi32>
    %add3A_306 = arith.addi %iota3A_302, %add3A_305 : vector<16xi32>
    %swap3A_307 = arith.constant 96 : index
    %swap3A_308 = tpu.vector_load %arg5[%swap3A_307] {strides = array<i32>} : memref<128xi32, #tpu.memory_space<vmem>>, vector<16xi32>,
    %swap3A_309 = vector.shape_cast %swap3A_308 : vector<16xi32> to vector<16xi32>
    %swap3A_310 = vector.shape_cast %add3A_306 : vector<16xi32> to vector<16xi32>
    tpu.vector_store %arg5[%swap3A_307], %swap3A_310 {strides = array<i32>} : memref<128xi32, #tpu.memory_space<vmem>>, vector<16xi32>,
    %get3A_311 = arith.constant 96 : index
    %get3A_312 = tpu.vector_load %arg4[%get3A_311] {strides = array<i32>} : memref<128xi32, #tpu.memory_space<vmem>>, vector<16xi32>,
    %get3A_313 = vector.shape_cast %get3A_312 : vector<16xi32> to vector<16xi32>
    %add3A_314 = vector.broadcast %mul3A_193 : i32 to vector<16xi32>
    %add3A_315 = arith.addi %get3A_313, %add3A_314 : vector<16xi32>
    %swap3A_316 = arith.constant 96 : index
    %swap3A_317 = tpu.vector_load %arg4[%swap3A_316] {strides = array<i32>} : memref<128xi32, #tpu.memory_space<vmem>>, vector<16xi32>,
    %swap3A_318 = vector.shape_cast %swap3A_317 : vector<16xi32> to vector<16xi32>
    %swap3A_319 = vector.shape_cast %add3A_315 : vector<16xi32> to vector<16xi32>
    tpu.vector_store %arg4[%swap3A_316], %swap3A_319 {strides = array<i32>} : memref<128xi32, #tpu.memory_space<vmem>>, vector<16xi32>,
    %iota3A_320 = tpu.iota {dimensions = array<i32: 0>} : vector<16xi32>
    %add3A_321 = arith.constant 112 : i32
    %add3A_322 = arith.addi %add3A_167, %add3A_321 : i32
    %add3A_323 = vector.broadcast %add3A_322 : i32 to vector<16xi32>
    %add3A_324 = arith.addi %iota3A_320, %add3A_323 : vector<16xi32>
    %swap3A_325 = arith.constant 112 : index
    %swap3A_326 = tpu.vector_load %arg5[%swap3A_325] {strides = array<i32>} : memref<128xi32, #tpu.memory_space<vmem>>, vector<16xi32>,
    %swap3A_327 = vector.shape_cast %swap3A_326 : vector<16xi32> to vector<16xi32>
    %swap3A_328 = vector.shape_cast %add3A_324 : vector<16xi32> to vector<16xi32>
    tpu.vector_store %arg5[%swap3A_325], %swap3A_328 {strides = array<i32>} : memref<128xi32, #tpu.memory_space<vmem>>, vector<16xi32>,
    %get3A_329 = arith.constant 112 : index
    %get3A_330 = tpu.vector_load %arg4[%get3A_329] {strides = array<i32>} : memref<128xi32, #tpu.memory_space<vmem>>, vector<16xi32>,
    %get3A_331 = vector.shape_cast %get3A_330 : vector<16xi32> to vector<16xi32>
    %add3A_332 = vector.broadcast %mul3A_193 : i32 to vector<16xi32>
    %add3A_333 = arith.addi %get3A_331, %add3A_332 : vector<16xi32>
    %swap3A_334 = arith.constant 112 : index
    %swap3A_335 = tpu.vector_load %arg4[%swap3A_334] {strides = array<i32>} : memref<128xi32, #tpu.memory_space<vmem>>, vector<16xi32>,
    %swap3A_336 = vector.shape_cast %swap3A_335 : vector<16xi32> to vector<16xi32>
    %swap3A_337 = vector.shape_cast %add3A_333 : vector<16xi32> to vector<16xi32>
    tpu.vector_store %arg4[%swap3A_334], %swap3A_337 {strides = array<i32>} : memref<128xi32, #tpu.memory_space<vmem>>, vector<16xi32>,
    %dma_start3A_338 = arith.constant 0 : i32
    %dma_start3A_339 = tpu.memref_slice %arg3[%dma_start3A_338] : memref<8192xi32, #tpu.memory_space<hbm>> -> memref<8192xi32, #tpu.memory_space<hbm>>
    tpu.enqueue_indirect_dma source(%arg5 : memref<128xi32, #tpu.memory_space<vmem>>) target(%dma_start3A_339 : memref<8192xi32, #tpu.memory_space<hbm>>) offsets(%arg4 : memref<128xi32, #tpu.memory_space<vmem>>) semaphore(%arg6 : memref<!tpu.dma_semaphore, #tpu.memory_space<semaphore_mem>>)
    %dma_wait3A_340 = arith.constant 0 : i32
    %dma_wait3A_341 = tpu.memref_slice %arg3[%dma_wait3A_340] : memref<8192xi32, #tpu.memory_space<hbm>> -> memref<8192xi32, #tpu.memory_space<hbm>>
    tpu.wait_indirect_dma semaphore(%arg6 : memref<!tpu.dma_semaphore, #tpu.memory_space<semaphore_mem>>) src(%arg5 : memref<128xi32, #tpu.memory_space<vmem>>) dst(%dma_wait3A_341 : memref<8192xi32, #tpu.memory_space<hbm>>)
    return
  }
}

#map = affine_map<(d0, d1) -> (0)>
#map1 = affine_map<(d0, d1) -> (0, 0)>
module attributes {stable_mosaic.version = 14 : i64} {
  func.func @sc_gather(%arg0: i32, %arg1: i32, %arg2: memref<8192xi32, #tpu.memory_space<hbm>>, %arg3: memref<8192x128xf32, #tpu.memory_space<hbm>>, %arg4: memref<4096x128xf32, #tpu.memory_space<hbm>>, %arg5: memref<128xi32, #tpu.memory_space<vmem>>, %arg6: memref<128x128xf32, #tpu.memory_space<vmem>>, %arg7: memref<!tpu.dma_semaphore, #tpu.memory_space<semaphore_mem>>) attributes {dimension_semantics = [#tpu.dimension_semantics<core_parallel>, #tpu.dimension_semantics<subcore_parallel>], iteration_bounds = array<i64: 2, 16>, scalar_prefetch = 0 : i64, scratch_operands = 3 : i64, tpu.core_type = #tpu.core_type<sc_vector_subcore>, window_params = [{transform_indices = #map}, {transform_indices = #map1}, {transform_indices = #map1}]} {
    %mul3A = arith.constant 2 : i32
    %mul3A_0 = arith.muli %arg1, %mul3A : i32
    %add3A = arith.addi %mul3A_0, %arg0 : i32
    %mul3A_1 = arith.constant 128 : i32
    %mul3A_2 = arith.muli %add3A, %mul3A_1 : i32
    %add3A_3 = arith.constant 0 : i32
    %add3A_4 = arith.addi %mul3A_2, %add3A_3 : i32
    %jit3A = arith.constant 2048 : i32
    %div3A = arith.divsi %add3A_4, %jit3A : i32
    %sign3A = arith.constant 0 : i32
    %sign3A_5 = arith.cmpi sgt, %add3A_4, %sign3A : i32
    %sign3A_6 = arith.extui %sign3A_5 : i1 to i32
    %sign3A_7 = arith.constant 0 : i32
    %sign3A_8 = arith.cmpi slt, %add3A_4, %sign3A_7 : i32
    %sign3A_9 = arith.extui %sign3A_8 : i1 to i32
    %sign3A_10 = arith.subi %sign3A_6, %sign3A_9 : i32
    %sign3A_11 = arith.constant 0 : i32
    %sign3A_12 = arith.cmpi sgt, %jit3A, %sign3A_11 : i32
    %sign3A_13 = arith.extui %sign3A_12 : i1 to i32
    %sign3A_14 = arith.constant 0 : i32
    %sign3A_15 = arith.cmpi slt, %jit3A, %sign3A_14 : i32
    %sign3A_16 = arith.extui %sign3A_15 : i1 to i32
    %sign3A_17 = arith.subi %sign3A_13, %sign3A_16 : i32
    %ne3A = arith.cmpi ne, %sign3A_10, %sign3A_17 : i32
    %rem3A = arith.remsi %add3A_4, %jit3A : i32
    %ne3A_18 = arith.constant 0 : i32
    %ne3A_19 = arith.cmpi ne, %rem3A, %ne3A_18 : i32
    %and3A = arith.andi %ne3A, %ne3A_19 : i1
    %sub3A = arith.constant 1 : i32
    %sub3A_20 = arith.subi %div3A, %sub3A : i32
    %select_n3A = arith.select %and3A, %sub3A_20, %div3A : i32
    %mul3A_21 = arith.constant 2048 : i32
    %mul3A_22 = arith.muli %select_n3A, %mul3A_21 : i32
    %sub3A_23 = arith.subi %add3A_4, %mul3A_22 : i32
    %mul3A_24 = arith.constant 4096 : i32
    %mul3A_25 = arith.muli %select_n3A, %mul3A_24 : i32
    %add3A_26 = arith.addi %mul3A_25, %sub3A_23 : i32
    "tpu.region"() ({
      %run_scoped3A = tpu.sem_alloc : memref<!tpu.dma_semaphore, #tpu.memory_space<semaphore_mem>>
      %dma_start3A_31 = tpu.memref_slice %arg2[%add3A_26] : memref<8192xi32, #tpu.memory_space<hbm>> -> memref<128xi32, #tpu.memory_space<hbm>>
      %dma_start3A_32 = tpu.memref_slice %arg2[%add3A_26] : memref<8192xi32, #tpu.memory_space<hbm>> -> memref<128xi32, #tpu.memory_space<hbm>>
      tpu.enqueue_dma source(%dma_start3A_32 : memref<128xi32, #tpu.memory_space<hbm>>) target(%arg5 : memref<128xi32, #tpu.memory_space<vmem>>) target_semaphore(%run_scoped3A : memref<!tpu.dma_semaphore, #tpu.memory_space<semaphore_mem>>)
      %dma_wait3A_33 = tpu.memref_slice %arg2[%add3A_26] : memref<8192xi32, #tpu.memory_space<hbm>> -> memref<128xi32, #tpu.memory_space<hbm>>
      %dma_wait3A_34 = tpu.memref_slice %arg2[%add3A_26] : memref<8192xi32, #tpu.memory_space<hbm>> -> memref<128xi32, #tpu.memory_space<hbm>>
      tpu.wait_dma2 semaphore(%run_scoped3A : memref<!tpu.dma_semaphore, #tpu.memory_space<semaphore_mem>>) src(%dma_wait3A_34 : memref<128xi32, #tpu.memory_space<hbm>>) dst(%arg5 : memref<128xi32, #tpu.memory_space<vmem>>)
      tpu.yield
    }) : () -> ()
    %dma_start3A = arith.constant 0 : i32
    %dma_start3A_27 = arith.constant 0 : i32
    %dma_start3A_28 = tpu.memref_slice %arg3[%dma_start3A, %dma_start3A_27] : memref<8192x128xf32, #tpu.memory_space<hbm>> -> memref<8192x128xf32, #tpu.memory_space<hbm>>
    tpu.enqueue_indirect_dma source(%dma_start3A_28 : memref<8192x128xf32, #tpu.memory_space<hbm>>) target(%arg6 : memref<128x128xf32, #tpu.memory_space<vmem>>) offsets(%arg5 : memref<128xi32, #tpu.memory_space<vmem>>) semaphore(%arg7 : memref<!tpu.dma_semaphore, #tpu.memory_space<semaphore_mem>>)
    %dma_wait3A = arith.constant 0 : i32
    %dma_wait3A_29 = arith.constant 0 : i32
    %dma_wait3A_30 = tpu.memref_slice %arg3[%dma_wait3A, %dma_wait3A_29] : memref<8192x128xf32, #tpu.memory_space<hbm>> -> memref<8192x128xf32, #tpu.memory_space<hbm>>
    tpu.wait_indirect_dma semaphore(%arg7 : memref<!tpu.dma_semaphore, #tpu.memory_space<semaphore_mem>>) src(%dma_wait3A_30 : memref<8192x128xf32, #tpu.memory_space<hbm>>) dst(%arg6 : memref<128x128xf32, #tpu.memory_space<vmem>>)
    "tpu.region"() ({
      %run_scoped3A = tpu.sem_alloc : memref<!tpu.dma_semaphore, #tpu.memory_space<semaphore_mem>>
      %dma_start3A_31 = arith.constant 0 : i32
      %dma_start3A_32 = tpu.memref_slice %arg4[%add3A_4, %dma_start3A_31] : memref<4096x128xf32, #tpu.memory_space<hbm>> -> memref<128x128xf32, #tpu.memory_space<hbm>>
      %dma_start3A_33 = arith.constant 0 : i32
      %dma_start3A_34 = tpu.memref_slice %arg4[%add3A_4, %dma_start3A_33] : memref<4096x128xf32, #tpu.memory_space<hbm>> -> memref<128x128xf32, #tpu.memory_space<hbm>>
      tpu.enqueue_dma source(%arg6 : memref<128x128xf32, #tpu.memory_space<vmem>>) target(%dma_start3A_34 : memref<128x128xf32, #tpu.memory_space<hbm>>) target_semaphore(%run_scoped3A : memref<!tpu.dma_semaphore, #tpu.memory_space<semaphore_mem>>)
      %dma_wait3A_35 = arith.constant 0 : i32
      %dma_wait3A_36 = tpu.memref_slice %arg4[%add3A_4, %dma_wait3A_35] : memref<4096x128xf32, #tpu.memory_space<hbm>> -> memref<128x128xf32, #tpu.memory_space<hbm>>
      %dma_wait3A_37 = arith.constant 0 : i32
      %dma_wait3A_38 = tpu.memref_slice %arg4[%add3A_4, %dma_wait3A_37] : memref<4096x128xf32, #tpu.memory_space<hbm>> -> memref<128x128xf32, #tpu.memory_space<hbm>>
      tpu.wait_dma2 semaphore(%run_scoped3A : memref<!tpu.dma_semaphore, #tpu.memory_space<semaphore_mem>>) src(%arg6 : memref<128x128xf32, #tpu.memory_space<vmem>>) dst(%dma_wait3A_38 : memref<128x128xf32, #tpu.memory_space<hbm>>)
      tpu.yield
    }) : () -> ()
    return
  }
}

module attributes {stable_mosaic.version = 14 : i64} {
  func.func @_knn_extract_kernel(%arg0: i32, %arg1: i32, %arg2: memref<1x512x3xf32, #tpu.memory_space<vmem>>, %arg3: memref<1x3x4096xf32, #tpu.memory_space<vmem>>, %arg4: memref<1x512x16xi32, #tpu.memory_space<vmem>>) attributes {dimension_semantics = [#tpu.dimension_semantics<arbitrary>, #tpu.dimension_semantics<arbitrary>], iteration_bounds = array<i64: 2, 8>, scalar_prefetch = 0 : i64, scratch_operands = 0 : i64, tpu.core_type = #tpu.core_type<tc>, window_params = [{transform_indices = @transform_0, window_bounds = array<i64: 1, 512, 3>}, {transform_indices = @transform_1, window_bounds = array<i64: 1, 3, 4096>}, {transform_indices = @transform_2, window_bounds = array<i64: 1, 512, 16>}]} {
    %get3A = arith.constant 0 : index
    %get3A_0 = arith.constant 0 : index
    %get3A_1 = arith.constant 0 : index
    %get3A_2 = vector.load %arg2[%get3A, %get3A_0, %get3A_1] : memref<1x512x3xf32, #tpu.memory_space<vmem>>, vector<1x512x3xf32>
    %get3A_3 = vector.shape_cast %get3A_2 : vector<1x512x3xf32> to vector<512x3xf32>
    %broadcast_in_dim3A = arith.constant 0.000000e+00 : f32
    %broadcast_in_dim3A_4 = vector.broadcast %broadcast_in_dim3A : f32 to vector<512x4096xf32>
    %slice3A = vector.extract_strided_slice %get3A_3 {offsets = [0, 0], sizes = [512, 1], strides = [1, 1]} : vector<512x3xf32> to vector<512x1xf32>
    %get3A_5 = arith.constant 0 : index
    %get3A_6 = arith.constant 0 : index
    %get3A_7 = arith.constant 0 : index
    %get3A_8 = vector.load %arg3[%get3A_5, %get3A_6, %get3A_7] : memref<1x3x4096xf32, #tpu.memory_space<vmem>>, vector<1x1x4096xf32>
    %get3A_9 = vector.shape_cast %get3A_8 : vector<1x1x4096xf32> to vector<4096xf32>
    %reshape3A = vector.shape_cast %get3A_9 : vector<4096xf32> to vector<1x4096xf32>
    %sub3A = vector.broadcast %slice3A : vector<512x1xf32> to vector<512x4096xf32>
    %sub3A_10 = vector.broadcast %reshape3A : vector<1x4096xf32> to vector<512x4096xf32>
    %sub3A_11 = arith.subf %sub3A, %sub3A_10 : vector<512x4096xf32>
    %mul3A = arith.mulf %sub3A_11, %sub3A_11 : vector<512x4096xf32>
    %add3A = arith.addf %broadcast_in_dim3A_4, %mul3A : vector<512x4096xf32>
    %slice3A_12 = vector.extract_strided_slice %get3A_3 {offsets = [0, 1], sizes = [512, 1], strides = [1, 1]} : vector<512x3xf32> to vector<512x1xf32>
    %get3A_13 = arith.constant 0 : index
    %get3A_14 = arith.constant 1 : index
    %get3A_15 = arith.constant 0 : index
    %get3A_16 = vector.load %arg3[%get3A_13, %get3A_14, %get3A_15] : memref<1x3x4096xf32, #tpu.memory_space<vmem>>, vector<1x1x4096xf32>
    %get3A_17 = vector.shape_cast %get3A_16 : vector<1x1x4096xf32> to vector<4096xf32>
    %reshape3A_18 = vector.shape_cast %get3A_17 : vector<4096xf32> to vector<1x4096xf32>
    %sub3A_19 = vector.broadcast %slice3A_12 : vector<512x1xf32> to vector<512x4096xf32>
    %sub3A_20 = vector.broadcast %reshape3A_18 : vector<1x4096xf32> to vector<512x4096xf32>
    %sub3A_21 = arith.subf %sub3A_19, %sub3A_20 : vector<512x4096xf32>
    %mul3A_22 = arith.mulf %sub3A_21, %sub3A_21 : vector<512x4096xf32>
    %add3A_23 = arith.addf %add3A, %mul3A_22 : vector<512x4096xf32>
    %slice3A_24 = vector.extract_strided_slice %get3A_3 {offsets = [0, 2], sizes = [512, 1], strides = [1, 1]} : vector<512x3xf32> to vector<512x1xf32>
    %get3A_25 = arith.constant 0 : index
    %get3A_26 = arith.constant 2 : index
    %get3A_27 = arith.constant 0 : index
    %get3A_28 = vector.load %arg3[%get3A_25, %get3A_26, %get3A_27] : memref<1x3x4096xf32, #tpu.memory_space<vmem>>, vector<1x1x4096xf32>
    %get3A_29 = vector.shape_cast %get3A_28 : vector<1x1x4096xf32> to vector<4096xf32>
    %reshape3A_30 = vector.shape_cast %get3A_29 : vector<4096xf32> to vector<1x4096xf32>
    %sub3A_31 = vector.broadcast %slice3A_24 : vector<512x1xf32> to vector<512x4096xf32>
    %sub3A_32 = vector.broadcast %reshape3A_30 : vector<1x4096xf32> to vector<512x4096xf32>
    %sub3A_33 = arith.subf %sub3A_31, %sub3A_32 : vector<512x4096xf32>
    %mul3A_34 = arith.mulf %sub3A_33, %sub3A_33 : vector<512x4096xf32>
    %add3A_35 = arith.addf %add3A_23, %mul3A_34 : vector<512x4096xf32>
    %iota3A = tpu.iota {dimensions = array<i32: 1>} : vector<512x4096xi32>
    %mul3A_36 = arith.constant 4096 : i32
    %mul3A_37 = arith.muli %arg0, %mul3A_36 : i32
    %reduce_min3A = arith.constant dense<0x7F800000> : vector<512xf32>
    %reduce_min3A_38 = vector.multi_reduction <minimumf>, %add3A_35, %reduce_min3A [1] : vector<512x4096xf32> to vector<512xf32>
    %broadcast_in_dim3A_39 = vector.shape_cast %reduce_min3A_38 : vector<512xf32> to vector<512x1xf32>
    %eq3A = vector.broadcast %broadcast_in_dim3A_39 : vector<512x1xf32> to vector<512x4096xf32>
    %eq3A_40 = arith.cmpf oeq, %add3A_35, %eq3A : vector<512x4096xf32>
    %jit3A = arith.constant 4096 : i32
    %broadcast_in_dim3A_41 = vector.broadcast %jit3A : i32 to vector<512x4096xi32>
    %select_n3A = arith.select %eq3A_40, %iota3A, %broadcast_in_dim3A_41 : vector<512x4096xi1>, vector<512x4096xi32>
    %reduce_min3A_42 = arith.constant dense<2147483647> : vector<512xi32>
    %reduce_min3A_43 = vector.multi_reduction <minsi>, %select_n3A, %reduce_min3A_42 [1] : vector<512x4096xi32> to vector<512xi32>
    %broadcast_in_dim3A_44 = vector.shape_cast %reduce_min3A_43 : vector<512xi32> to vector<512x1xi32>
    %eq3A_45 = vector.broadcast %broadcast_in_dim3A_44 : vector<512x1xi32> to vector<512x4096xi32>
    %eq3A_46 = arith.cmpi eq, %iota3A, %eq3A_45 : vector<512x4096xi32>
    %jit3A_47 = arith.constant 0x7F800000 : f32
    %broadcast_in_dim3A_48 = vector.broadcast %jit3A_47 : f32 to vector<512x4096xf32>
    %select_n3A_49 = arith.select %eq3A_46, %broadcast_in_dim3A_48, %add3A_35 : vector<512x4096xi1>, vector<512x4096xf32>
    %reduce_min3A_50 = arith.constant dense<0x7F800000> : vector<512xf32>
    %reduce_min3A_51 = vector.multi_reduction <minimumf>, %select_n3A_49, %reduce_min3A_50 [1] : vector<512x4096xf32> to vector<512xf32>
    %broadcast_in_dim3A_52 = vector.shape_cast %reduce_min3A_51 : vector<512xf32> to vector<512x1xf32>
    %eq3A_53 = vector.broadcast %broadcast_in_dim3A_52 : vector<512x1xf32> to vector<512x4096xf32>
    %eq3A_54 = arith.cmpf oeq, %select_n3A_49, %eq3A_53 : vector<512x4096xf32>
    %jit3A_55 = arith.constant 4096 : i32
    %broadcast_in_dim3A_56 = vector.broadcast %jit3A_55 : i32 to vector<512x4096xi32>
    %select_n3A_57 = arith.select %eq3A_54, %iota3A, %broadcast_in_dim3A_56 : vector<512x4096xi1>, vector<512x4096xi32>
    %reduce_min3A_58 = arith.constant dense<2147483647> : vector<512xi32>
    %reduce_min3A_59 = vector.multi_reduction <minsi>, %select_n3A_57, %reduce_min3A_58 [1] : vector<512x4096xi32> to vector<512xi32>
    %broadcast_in_dim3A_60 = vector.shape_cast %reduce_min3A_59 : vector<512xi32> to vector<512x1xi32>
    %eq3A_61 = vector.broadcast %broadcast_in_dim3A_60 : vector<512x1xi32> to vector<512x4096xi32>
    %eq3A_62 = arith.cmpi eq, %iota3A, %eq3A_61 : vector<512x4096xi32>
    %jit3A_63 = arith.constant 0x7F800000 : f32
    %broadcast_in_dim3A_64 = vector.broadcast %jit3A_63 : f32 to vector<512x4096xf32>
    %select_n3A_65 = arith.select %eq3A_62, %broadcast_in_dim3A_64, %select_n3A_49 : vector<512x4096xi1>, vector<512x4096xf32>
    %add3A_66 = vector.broadcast %mul3A_37 : i32 to vector<512x1xi32>
    %add3A_67 = arith.addi %broadcast_in_dim3A_60, %add3A_66 : vector<512x1xi32>
    %swap3A = arith.constant 0 : index
    %swap3A_68 = arith.constant 0 : index
    %swap3A_69 = arith.constant 0 : index
    %swap3A_70 = vector.load %arg4[%swap3A, %swap3A_68, %swap3A_69] : memref<1x512x16xi32, #tpu.memory_space<vmem>>, vector<1x512x1xi32>
    %swap3A_71 = vector.shape_cast %swap3A_70 : vector<1x512x1xi32> to vector<512x1xi32>
    %swap3A_72 = vector.shape_cast %add3A_67 : vector<512x1xi32> to vector<1x512x1xi32>
    tpu.vector_store %arg4[%swap3A, %swap3A_68, %swap3A_69], %swap3A_72 {strides = array<i32>} : memref<1x512x16xi32, #tpu.memory_space<vmem>>, vector<1x512x1xi32>,
    %reduce_min3A_73 = arith.constant dense<0x7F800000> : vector<512xf32>
    %reduce_min3A_74 = vector.multi_reduction <minimumf>, %select_n3A_65, %reduce_min3A_73 [1] : vector<512x4096xf32> to vector<512xf32>
    %broadcast_in_dim3A_75 = vector.shape_cast %reduce_min3A_74 : vector<512xf32> to vector<512x1xf32>
    %eq3A_76 = vector.broadcast %broadcast_in_dim3A_75 : vector<512x1xf32> to vector<512x4096xf32>
    %eq3A_77 = arith.cmpf oeq, %select_n3A_65, %eq3A_76 : vector<512x4096xf32>
    %jit3A_78 = arith.constant 4096 : i32
    %broadcast_in_dim3A_79 = vector.broadcast %jit3A_78 : i32 to vector<512x4096xi32>
    %select_n3A_80 = arith.select %eq3A_77, %iota3A, %broadcast_in_dim3A_79 : vector<512x4096xi1>, vector<512x4096xi32>
    %reduce_min3A_81 = arith.constant dense<2147483647> : vector<512xi32>
    %reduce_min3A_82 = vector.multi_reduction <minsi>, %select_n3A_80, %reduce_min3A_81 [1] : vector<512x4096xi32> to vector<512xi32>
    %broadcast_in_dim3A_83 = vector.shape_cast %reduce_min3A_82 : vector<512xi32> to vector<512x1xi32>
    %eq3A_84 = vector.broadcast %broadcast_in_dim3A_83 : vector<512x1xi32> to vector<512x4096xi32>
    %eq3A_85 = arith.cmpi eq, %iota3A, %eq3A_84 : vector<512x4096xi32>
    %jit3A_86 = arith.constant 0x7F800000 : f32
    %broadcast_in_dim3A_87 = vector.broadcast %jit3A_86 : f32 to vector<512x4096xf32>
    %select_n3A_88 = arith.select %eq3A_85, %broadcast_in_dim3A_87, %select_n3A_65 : vector<512x4096xi1>, vector<512x4096xf32>
    %add3A_89 = vector.broadcast %mul3A_37 : i32 to vector<512x1xi32>
    %add3A_90 = arith.addi %broadcast_in_dim3A_83, %add3A_89 : vector<512x1xi32>
    %swap3A_91 = arith.constant 0 : index
    %swap3A_92 = arith.constant 0 : index
    %swap3A_93 = arith.constant 1 : index
    %swap3A_94 = vector.load %arg4[%swap3A_91, %swap3A_92, %swap3A_93] : memref<1x512x16xi32, #tpu.memory_space<vmem>>, vector<1x512x1xi32>
    %swap3A_95 = vector.shape_cast %swap3A_94 : vector<1x512x1xi32> to vector<512x1xi32>
    %swap3A_96 = vector.shape_cast %add3A_90 : vector<512x1xi32> to vector<1x512x1xi32>
    tpu.vector_store %arg4[%swap3A_91, %swap3A_92, %swap3A_93], %swap3A_96 {strides = array<i32>} : memref<1x512x16xi32, #tpu.memory_space<vmem>>, vector<1x512x1xi32>,
    %reduce_min3A_97 = arith.constant dense<0x7F800000> : vector<512xf32>
    %reduce_min3A_98 = vector.multi_reduction <minimumf>, %select_n3A_88, %reduce_min3A_97 [1] : vector<512x4096xf32> to vector<512xf32>
    %broadcast_in_dim3A_99 = vector.shape_cast %reduce_min3A_98 : vector<512xf32> to vector<512x1xf32>
    %eq3A_100 = vector.broadcast %broadcast_in_dim3A_99 : vector<512x1xf32> to vector<512x4096xf32>
    %eq3A_101 = arith.cmpf oeq, %select_n3A_88, %eq3A_100 : vector<512x4096xf32>
    %jit3A_102 = arith.constant 4096 : i32
    %broadcast_in_dim3A_103 = vector.broadcast %jit3A_102 : i32 to vector<512x4096xi32>
    %select_n3A_104 = arith.select %eq3A_101, %iota3A, %broadcast_in_dim3A_103 : vector<512x4096xi1>, vector<512x4096xi32>
    %reduce_min3A_105 = arith.constant dense<2147483647> : vector<512xi32>
    %reduce_min3A_106 = vector.multi_reduction <minsi>, %select_n3A_104, %reduce_min3A_105 [1] : vector<512x4096xi32> to vector<512xi32>
    %broadcast_in_dim3A_107 = vector.shape_cast %reduce_min3A_106 : vector<512xi32> to vector<512x1xi32>
    %eq3A_108 = vector.broadcast %broadcast_in_dim3A_107 : vector<512x1xi32> to vector<512x4096xi32>
    %eq3A_109 = arith.cmpi eq, %iota3A, %eq3A_108 : vector<512x4096xi32>
    %jit3A_110 = arith.constant 0x7F800000 : f32
    %broadcast_in_dim3A_111 = vector.broadcast %jit3A_110 : f32 to vector<512x4096xf32>
    %select_n3A_112 = arith.select %eq3A_109, %broadcast_in_dim3A_111, %select_n3A_88 : vector<512x4096xi1>, vector<512x4096xf32>
    %add3A_113 = vector.broadcast %mul3A_37 : i32 to vector<512x1xi32>
    %add3A_114 = arith.addi %broadcast_in_dim3A_107, %add3A_113 : vector<512x1xi32>
    %swap3A_115 = arith.constant 0 : index
    %swap3A_116 = arith.constant 0 : index
    %swap3A_117 = arith.constant 2 : index
    %swap3A_118 = vector.load %arg4[%swap3A_115, %swap3A_116, %swap3A_117] : memref<1x512x16xi32, #tpu.memory_space<vmem>>, vector<1x512x1xi32>
    %swap3A_119 = vector.shape_cast %swap3A_118 : vector<1x512x1xi32> to vector<512x1xi32>
    %swap3A_120 = vector.shape_cast %add3A_114 : vector<512x1xi32> to vector<1x512x1xi32>
    tpu.vector_store %arg4[%swap3A_115, %swap3A_116, %swap3A_117], %swap3A_120 {strides = array<i32>} : memref<1x512x16xi32, #tpu.memory_space<vmem>>, vector<1x512x1xi32>,
    %reduce_min3A_121 = arith.constant dense<0x7F800000> : vector<512xf32>
    %reduce_min3A_122 = vector.multi_reduction <minimumf>, %select_n3A_112, %reduce_min3A_121 [1] : vector<512x4096xf32> to vector<512xf32>
    %broadcast_in_dim3A_123 = vector.shape_cast %reduce_min3A_122 : vector<512xf32> to vector<512x1xf32>
    %eq3A_124 = vector.broadcast %broadcast_in_dim3A_123 : vector<512x1xf32> to vector<512x4096xf32>
    %eq3A_125 = arith.cmpf oeq, %select_n3A_112, %eq3A_124 : vector<512x4096xf32>
    %jit3A_126 = arith.constant 4096 : i32
    %broadcast_in_dim3A_127 = vector.broadcast %jit3A_126 : i32 to vector<512x4096xi32>
    %select_n3A_128 = arith.select %eq3A_125, %iota3A, %broadcast_in_dim3A_127 : vector<512x4096xi1>, vector<512x4096xi32>
    %reduce_min3A_129 = arith.constant dense<2147483647> : vector<512xi32>
    %reduce_min3A_130 = vector.multi_reduction <minsi>, %select_n3A_128, %reduce_min3A_129 [1] : vector<512x4096xi32> to vector<512xi32>
    %broadcast_in_dim3A_131 = vector.shape_cast %reduce_min3A_130 : vector<512xi32> to vector<512x1xi32>
    %eq3A_132 = vector.broadcast %broadcast_in_dim3A_131 : vector<512x1xi32> to vector<512x4096xi32>
    %eq3A_133 = arith.cmpi eq, %iota3A, %eq3A_132 : vector<512x4096xi32>
    %jit3A_134 = arith.constant 0x7F800000 : f32
    %broadcast_in_dim3A_135 = vector.broadcast %jit3A_134 : f32 to vector<512x4096xf32>
    %select_n3A_136 = arith.select %eq3A_133, %broadcast_in_dim3A_135, %select_n3A_112 : vector<512x4096xi1>, vector<512x4096xf32>
    %add3A_137 = vector.broadcast %mul3A_37 : i32 to vector<512x1xi32>
    %add3A_138 = arith.addi %broadcast_in_dim3A_131, %add3A_137 : vector<512x1xi32>
    %swap3A_139 = arith.constant 0 : index
    %swap3A_140 = arith.constant 0 : index
    %swap3A_141 = arith.constant 3 : index
    %swap3A_142 = vector.load %arg4[%swap3A_139, %swap3A_140, %swap3A_141] : memref<1x512x16xi32, #tpu.memory_space<vmem>>, vector<1x512x1xi32>
    %swap3A_143 = vector.shape_cast %swap3A_142 : vector<1x512x1xi32> to vector<512x1xi32>
    %swap3A_144 = vector.shape_cast %add3A_138 : vector<512x1xi32> to vector<1x512x1xi32>
    tpu.vector_store %arg4[%swap3A_139, %swap3A_140, %swap3A_141], %swap3A_144 {strides = array<i32>} : memref<1x512x16xi32, #tpu.memory_space<vmem>>, vector<1x512x1xi32>,
    %reduce_min3A_145 = arith.constant dense<0x7F800000> : vector<512xf32>
    %reduce_min3A_146 = vector.multi_reduction <minimumf>, %select_n3A_136, %reduce_min3A_145 [1] : vector<512x4096xf32> to vector<512xf32>
    %broadcast_in_dim3A_147 = vector.shape_cast %reduce_min3A_146 : vector<512xf32> to vector<512x1xf32>
    %eq3A_148 = vector.broadcast %broadcast_in_dim3A_147 : vector<512x1xf32> to vector<512x4096xf32>
    %eq3A_149 = arith.cmpf oeq, %select_n3A_136, %eq3A_148 : vector<512x4096xf32>
    %jit3A_150 = arith.constant 4096 : i32
    %broadcast_in_dim3A_151 = vector.broadcast %jit3A_150 : i32 to vector<512x4096xi32>
    %select_n3A_152 = arith.select %eq3A_149, %iota3A, %broadcast_in_dim3A_151 : vector<512x4096xi1>, vector<512x4096xi32>
    %reduce_min3A_153 = arith.constant dense<2147483647> : vector<512xi32>
    %reduce_min3A_154 = vector.multi_reduction <minsi>, %select_n3A_152, %reduce_min3A_153 [1] : vector<512x4096xi32> to vector<512xi32>
    %broadcast_in_dim3A_155 = vector.shape_cast %reduce_min3A_154 : vector<512xi32> to vector<512x1xi32>
    %eq3A_156 = vector.broadcast %broadcast_in_dim3A_155 : vector<512x1xi32> to vector<512x4096xi32>
    %eq3A_157 = arith.cmpi eq, %iota3A, %eq3A_156 : vector<512x4096xi32>
    %jit3A_158 = arith.constant 0x7F800000 : f32
    %broadcast_in_dim3A_159 = vector.broadcast %jit3A_158 : f32 to vector<512x4096xf32>
    %select_n3A_160 = arith.select %eq3A_157, %broadcast_in_dim3A_159, %select_n3A_136 : vector<512x4096xi1>, vector<512x4096xf32>
    %add3A_161 = vector.broadcast %mul3A_37 : i32 to vector<512x1xi32>
    %add3A_162 = arith.addi %broadcast_in_dim3A_155, %add3A_161 : vector<512x1xi32>
    %swap3A_163 = arith.constant 0 : index
    %swap3A_164 = arith.constant 0 : index
    %swap3A_165 = arith.constant 4 : index
    %swap3A_166 = vector.load %arg4[%swap3A_163, %swap3A_164, %swap3A_165] : memref<1x512x16xi32, #tpu.memory_space<vmem>>, vector<1x512x1xi32>
    %swap3A_167 = vector.shape_cast %swap3A_166 : vector<1x512x1xi32> to vector<512x1xi32>
    %swap3A_168 = vector.shape_cast %add3A_162 : vector<512x1xi32> to vector<1x512x1xi32>
    tpu.vector_store %arg4[%swap3A_163, %swap3A_164, %swap3A_165], %swap3A_168 {strides = array<i32>} : memref<1x512x16xi32, #tpu.memory_space<vmem>>, vector<1x512x1xi32>,
    %reduce_min3A_169 = arith.constant dense<0x7F800000> : vector<512xf32>
    %reduce_min3A_170 = vector.multi_reduction <minimumf>, %select_n3A_160, %reduce_min3A_169 [1] : vector<512x4096xf32> to vector<512xf32>
    %broadcast_in_dim3A_171 = vector.shape_cast %reduce_min3A_170 : vector<512xf32> to vector<512x1xf32>
    %eq3A_172 = vector.broadcast %broadcast_in_dim3A_171 : vector<512x1xf32> to vector<512x4096xf32>
    %eq3A_173 = arith.cmpf oeq, %select_n3A_160, %eq3A_172 : vector<512x4096xf32>
    %jit3A_174 = arith.constant 4096 : i32
    %broadcast_in_dim3A_175 = vector.broadcast %jit3A_174 : i32 to vector<512x4096xi32>
    %select_n3A_176 = arith.select %eq3A_173, %iota3A, %broadcast_in_dim3A_175 : vector<512x4096xi1>, vector<512x4096xi32>
    %reduce_min3A_177 = arith.constant dense<2147483647> : vector<512xi32>
    %reduce_min3A_178 = vector.multi_reduction <minsi>, %select_n3A_176, %reduce_min3A_177 [1] : vector<512x4096xi32> to vector<512xi32>
    %broadcast_in_dim3A_179 = vector.shape_cast %reduce_min3A_178 : vector<512xi32> to vector<512x1xi32>
    %eq3A_180 = vector.broadcast %broadcast_in_dim3A_179 : vector<512x1xi32> to vector<512x4096xi32>
    %eq3A_181 = arith.cmpi eq, %iota3A, %eq3A_180 : vector<512x4096xi32>
    %jit3A_182 = arith.constant 0x7F800000 : f32
    %broadcast_in_dim3A_183 = vector.broadcast %jit3A_182 : f32 to vector<512x4096xf32>
    %select_n3A_184 = arith.select %eq3A_181, %broadcast_in_dim3A_183, %select_n3A_160 : vector<512x4096xi1>, vector<512x4096xf32>
    %add3A_185 = vector.broadcast %mul3A_37 : i32 to vector<512x1xi32>
    %add3A_186 = arith.addi %broadcast_in_dim3A_179, %add3A_185 : vector<512x1xi32>
    %swap3A_187 = arith.constant 0 : index
    %swap3A_188 = arith.constant 0 : index
    %swap3A_189 = arith.constant 5 : index
    %swap3A_190 = vector.load %arg4[%swap3A_187, %swap3A_188, %swap3A_189] : memref<1x512x16xi32, #tpu.memory_space<vmem>>, vector<1x512x1xi32>
    %swap3A_191 = vector.shape_cast %swap3A_190 : vector<1x512x1xi32> to vector<512x1xi32>
    %swap3A_192 = vector.shape_cast %add3A_186 : vector<512x1xi32> to vector<1x512x1xi32>
    tpu.vector_store %arg4[%swap3A_187, %swap3A_188, %swap3A_189], %swap3A_192 {strides = array<i32>} : memref<1x512x16xi32, #tpu.memory_space<vmem>>, vector<1x512x1xi32>,
    %reduce_min3A_193 = arith.constant dense<0x7F800000> : vector<512xf32>
    %reduce_min3A_194 = vector.multi_reduction <minimumf>, %select_n3A_184, %reduce_min3A_193 [1] : vector<512x4096xf32> to vector<512xf32>
    %broadcast_in_dim3A_195 = vector.shape_cast %reduce_min3A_194 : vector<512xf32> to vector<512x1xf32>
    %eq3A_196 = vector.broadcast %broadcast_in_dim3A_195 : vector<512x1xf32> to vector<512x4096xf32>
    %eq3A_197 = arith.cmpf oeq, %select_n3A_184, %eq3A_196 : vector<512x4096xf32>
    %jit3A_198 = arith.constant 4096 : i32
    %broadcast_in_dim3A_199 = vector.broadcast %jit3A_198 : i32 to vector<512x4096xi32>
    %select_n3A_200 = arith.select %eq3A_197, %iota3A, %broadcast_in_dim3A_199 : vector<512x4096xi1>, vector<512x4096xi32>
    %reduce_min3A_201 = arith.constant dense<2147483647> : vector<512xi32>
    %reduce_min3A_202 = vector.multi_reduction <minsi>, %select_n3A_200, %reduce_min3A_201 [1] : vector<512x4096xi32> to vector<512xi32>
    %broadcast_in_dim3A_203 = vector.shape_cast %reduce_min3A_202 : vector<512xi32> to vector<512x1xi32>
    %eq3A_204 = vector.broadcast %broadcast_in_dim3A_203 : vector<512x1xi32> to vector<512x4096xi32>
    %eq3A_205 = arith.cmpi eq, %iota3A, %eq3A_204 : vector<512x4096xi32>
    %jit3A_206 = arith.constant 0x7F800000 : f32
    %broadcast_in_dim3A_207 = vector.broadcast %jit3A_206 : f32 to vector<512x4096xf32>
    %select_n3A_208 = arith.select %eq3A_205, %broadcast_in_dim3A_207, %select_n3A_184 : vector<512x4096xi1>, vector<512x4096xf32>
    %add3A_209 = vector.broadcast %mul3A_37 : i32 to vector<512x1xi32>
    %add3A_210 = arith.addi %broadcast_in_dim3A_203, %add3A_209 : vector<512x1xi32>
    %swap3A_211 = arith.constant 0 : index
    %swap3A_212 = arith.constant 0 : index
    %swap3A_213 = arith.constant 6 : index
    %swap3A_214 = vector.load %arg4[%swap3A_211, %swap3A_212, %swap3A_213] : memref<1x512x16xi32, #tpu.memory_space<vmem>>, vector<1x512x1xi32>
    %swap3A_215 = vector.shape_cast %swap3A_214 : vector<1x512x1xi32> to vector<512x1xi32>
    %swap3A_216 = vector.shape_cast %add3A_210 : vector<512x1xi32> to vector<1x512x1xi32>
    tpu.vector_store %arg4[%swap3A_211, %swap3A_212, %swap3A_213], %swap3A_216 {strides = array<i32>} : memref<1x512x16xi32, #tpu.memory_space<vmem>>, vector<1x512x1xi32>,
    %reduce_min3A_217 = arith.constant dense<0x7F800000> : vector<512xf32>
    %reduce_min3A_218 = vector.multi_reduction <minimumf>, %select_n3A_208, %reduce_min3A_217 [1] : vector<512x4096xf32> to vector<512xf32>
    %broadcast_in_dim3A_219 = vector.shape_cast %reduce_min3A_218 : vector<512xf32> to vector<512x1xf32>
    %eq3A_220 = vector.broadcast %broadcast_in_dim3A_219 : vector<512x1xf32> to vector<512x4096xf32>
    %eq3A_221 = arith.cmpf oeq, %select_n3A_208, %eq3A_220 : vector<512x4096xf32>
    %jit3A_222 = arith.constant 4096 : i32
    %broadcast_in_dim3A_223 = vector.broadcast %jit3A_222 : i32 to vector<512x4096xi32>
    %select_n3A_224 = arith.select %eq3A_221, %iota3A, %broadcast_in_dim3A_223 : vector<512x4096xi1>, vector<512x4096xi32>
    %reduce_min3A_225 = arith.constant dense<2147483647> : vector<512xi32>
    %reduce_min3A_226 = vector.multi_reduction <minsi>, %select_n3A_224, %reduce_min3A_225 [1] : vector<512x4096xi32> to vector<512xi32>
    %broadcast_in_dim3A_227 = vector.shape_cast %reduce_min3A_226 : vector<512xi32> to vector<512x1xi32>
    %eq3A_228 = vector.broadcast %broadcast_in_dim3A_227 : vector<512x1xi32> to vector<512x4096xi32>
    %eq3A_229 = arith.cmpi eq, %iota3A, %eq3A_228 : vector<512x4096xi32>
    %jit3A_230 = arith.constant 0x7F800000 : f32
    %broadcast_in_dim3A_231 = vector.broadcast %jit3A_230 : f32 to vector<512x4096xf32>
    %select_n3A_232 = arith.select %eq3A_229, %broadcast_in_dim3A_231, %select_n3A_208 : vector<512x4096xi1>, vector<512x4096xf32>
    %add3A_233 = vector.broadcast %mul3A_37 : i32 to vector<512x1xi32>
    %add3A_234 = arith.addi %broadcast_in_dim3A_227, %add3A_233 : vector<512x1xi32>
    %swap3A_235 = arith.constant 0 : index
    %swap3A_236 = arith.constant 0 : index
    %swap3A_237 = arith.constant 7 : index
    %swap3A_238 = vector.load %arg4[%swap3A_235, %swap3A_236, %swap3A_237] : memref<1x512x16xi32, #tpu.memory_space<vmem>>, vector<1x512x1xi32>
    %swap3A_239 = vector.shape_cast %swap3A_238 : vector<1x512x1xi32> to vector<512x1xi32>
    %swap3A_240 = vector.shape_cast %add3A_234 : vector<512x1xi32> to vector<1x512x1xi32>
    tpu.vector_store %arg4[%swap3A_235, %swap3A_236, %swap3A_237], %swap3A_240 {strides = array<i32>} : memref<1x512x16xi32, #tpu.memory_space<vmem>>, vector<1x512x1xi32>,
    %reduce_min3A_241 = arith.constant dense<0x7F800000> : vector<512xf32>
    %reduce_min3A_242 = vector.multi_reduction <minimumf>, %select_n3A_232, %reduce_min3A_241 [1] : vector<512x4096xf32> to vector<512xf32>
    %broadcast_in_dim3A_243 = vector.shape_cast %reduce_min3A_242 : vector<512xf32> to vector<512x1xf32>
    %eq3A_244 = vector.broadcast %broadcast_in_dim3A_243 : vector<512x1xf32> to vector<512x4096xf32>
    %eq3A_245 = arith.cmpf oeq, %select_n3A_232, %eq3A_244 : vector<512x4096xf32>
    %jit3A_246 = arith.constant 4096 : i32
    %broadcast_in_dim3A_247 = vector.broadcast %jit3A_246 : i32 to vector<512x4096xi32>
    %select_n3A_248 = arith.select %eq3A_245, %iota3A, %broadcast_in_dim3A_247 : vector<512x4096xi1>, vector<512x4096xi32>
    %reduce_min3A_249 = arith.constant dense<2147483647> : vector<512xi32>
    %reduce_min3A_250 = vector.multi_reduction <minsi>, %select_n3A_248, %reduce_min3A_249 [1] : vector<512x4096xi32> to vector<512xi32>
    %broadcast_in_dim3A_251 = vector.shape_cast %reduce_min3A_250 : vector<512xi32> to vector<512x1xi32>
    %eq3A_252 = vector.broadcast %broadcast_in_dim3A_251 : vector<512x1xi32> to vector<512x4096xi32>
    %eq3A_253 = arith.cmpi eq, %iota3A, %eq3A_252 : vector<512x4096xi32>
    %jit3A_254 = arith.constant 0x7F800000 : f32
    %broadcast_in_dim3A_255 = vector.broadcast %jit3A_254 : f32 to vector<512x4096xf32>
    %select_n3A_256 = arith.select %eq3A_253, %broadcast_in_dim3A_255, %select_n3A_232 : vector<512x4096xi1>, vector<512x4096xf32>
    %add3A_257 = vector.broadcast %mul3A_37 : i32 to vector<512x1xi32>
    %add3A_258 = arith.addi %broadcast_in_dim3A_251, %add3A_257 : vector<512x1xi32>
    %swap3A_259 = arith.constant 0 : index
    %swap3A_260 = arith.constant 0 : index
    %swap3A_261 = arith.constant 8 : index
    %swap3A_262 = vector.load %arg4[%swap3A_259, %swap3A_260, %swap3A_261] : memref<1x512x16xi32, #tpu.memory_space<vmem>>, vector<1x512x1xi32>
    %swap3A_263 = vector.shape_cast %swap3A_262 : vector<1x512x1xi32> to vector<512x1xi32>
    %swap3A_264 = vector.shape_cast %add3A_258 : vector<512x1xi32> to vector<1x512x1xi32>
    tpu.vector_store %arg4[%swap3A_259, %swap3A_260, %swap3A_261], %swap3A_264 {strides = array<i32>} : memref<1x512x16xi32, #tpu.memory_space<vmem>>, vector<1x512x1xi32>,
    %reduce_min3A_265 = arith.constant dense<0x7F800000> : vector<512xf32>
    %reduce_min3A_266 = vector.multi_reduction <minimumf>, %select_n3A_256, %reduce_min3A_265 [1] : vector<512x4096xf32> to vector<512xf32>
    %broadcast_in_dim3A_267 = vector.shape_cast %reduce_min3A_266 : vector<512xf32> to vector<512x1xf32>
    %eq3A_268 = vector.broadcast %broadcast_in_dim3A_267 : vector<512x1xf32> to vector<512x4096xf32>
    %eq3A_269 = arith.cmpf oeq, %select_n3A_256, %eq3A_268 : vector<512x4096xf32>
    %jit3A_270 = arith.constant 4096 : i32
    %broadcast_in_dim3A_271 = vector.broadcast %jit3A_270 : i32 to vector<512x4096xi32>
    %select_n3A_272 = arith.select %eq3A_269, %iota3A, %broadcast_in_dim3A_271 : vector<512x4096xi1>, vector<512x4096xi32>
    %reduce_min3A_273 = arith.constant dense<2147483647> : vector<512xi32>
    %reduce_min3A_274 = vector.multi_reduction <minsi>, %select_n3A_272, %reduce_min3A_273 [1] : vector<512x4096xi32> to vector<512xi32>
    %broadcast_in_dim3A_275 = vector.shape_cast %reduce_min3A_274 : vector<512xi32> to vector<512x1xi32>
    %eq3A_276 = vector.broadcast %broadcast_in_dim3A_275 : vector<512x1xi32> to vector<512x4096xi32>
    %eq3A_277 = arith.cmpi eq, %iota3A, %eq3A_276 : vector<512x4096xi32>
    %jit3A_278 = arith.constant 0x7F800000 : f32
    %broadcast_in_dim3A_279 = vector.broadcast %jit3A_278 : f32 to vector<512x4096xf32>
    %select_n3A_280 = arith.select %eq3A_277, %broadcast_in_dim3A_279, %select_n3A_256 : vector<512x4096xi1>, vector<512x4096xf32>
    %add3A_281 = vector.broadcast %mul3A_37 : i32 to vector<512x1xi32>
    %add3A_282 = arith.addi %broadcast_in_dim3A_275, %add3A_281 : vector<512x1xi32>
    %swap3A_283 = arith.constant 0 : index
    %swap3A_284 = arith.constant 0 : index
    %swap3A_285 = arith.constant 9 : index
    %swap3A_286 = vector.load %arg4[%swap3A_283, %swap3A_284, %swap3A_285] : memref<1x512x16xi32, #tpu.memory_space<vmem>>, vector<1x512x1xi32>
    %swap3A_287 = vector.shape_cast %swap3A_286 : vector<1x512x1xi32> to vector<512x1xi32>
    %swap3A_288 = vector.shape_cast %add3A_282 : vector<512x1xi32> to vector<1x512x1xi32>
    tpu.vector_store %arg4[%swap3A_283, %swap3A_284, %swap3A_285], %swap3A_288 {strides = array<i32>} : memref<1x512x16xi32, #tpu.memory_space<vmem>>, vector<1x512x1xi32>,
    %reduce_min3A_289 = arith.constant dense<0x7F800000> : vector<512xf32>
    %reduce_min3A_290 = vector.multi_reduction <minimumf>, %select_n3A_280, %reduce_min3A_289 [1] : vector<512x4096xf32> to vector<512xf32>
    %broadcast_in_dim3A_291 = vector.shape_cast %reduce_min3A_290 : vector<512xf32> to vector<512x1xf32>
    %eq3A_292 = vector.broadcast %broadcast_in_dim3A_291 : vector<512x1xf32> to vector<512x4096xf32>
    %eq3A_293 = arith.cmpf oeq, %select_n3A_280, %eq3A_292 : vector<512x4096xf32>
    %jit3A_294 = arith.constant 4096 : i32
    %broadcast_in_dim3A_295 = vector.broadcast %jit3A_294 : i32 to vector<512x4096xi32>
    %select_n3A_296 = arith.select %eq3A_293, %iota3A, %broadcast_in_dim3A_295 : vector<512x4096xi1>, vector<512x4096xi32>
    %reduce_min3A_297 = arith.constant dense<2147483647> : vector<512xi32>
    %reduce_min3A_298 = vector.multi_reduction <minsi>, %select_n3A_296, %reduce_min3A_297 [1] : vector<512x4096xi32> to vector<512xi32>
    %broadcast_in_dim3A_299 = vector.shape_cast %reduce_min3A_298 : vector<512xi32> to vector<512x1xi32>
    %eq3A_300 = vector.broadcast %broadcast_in_dim3A_299 : vector<512x1xi32> to vector<512x4096xi32>
    %eq3A_301 = arith.cmpi eq, %iota3A, %eq3A_300 : vector<512x4096xi32>
    %jit3A_302 = arith.constant 0x7F800000 : f32
    %broadcast_in_dim3A_303 = vector.broadcast %jit3A_302 : f32 to vector<512x4096xf32>
    %select_n3A_304 = arith.select %eq3A_301, %broadcast_in_dim3A_303, %select_n3A_280 : vector<512x4096xi1>, vector<512x4096xf32>
    %add3A_305 = vector.broadcast %mul3A_37 : i32 to vector<512x1xi32>
    %add3A_306 = arith.addi %broadcast_in_dim3A_299, %add3A_305 : vector<512x1xi32>
    %swap3A_307 = arith.constant 0 : index
    %swap3A_308 = arith.constant 0 : index
    %swap3A_309 = arith.constant 10 : index
    %swap3A_310 = vector.load %arg4[%swap3A_307, %swap3A_308, %swap3A_309] : memref<1x512x16xi32, #tpu.memory_space<vmem>>, vector<1x512x1xi32>
    %swap3A_311 = vector.shape_cast %swap3A_310 : vector<1x512x1xi32> to vector<512x1xi32>
    %swap3A_312 = vector.shape_cast %add3A_306 : vector<512x1xi32> to vector<1x512x1xi32>
    tpu.vector_store %arg4[%swap3A_307, %swap3A_308, %swap3A_309], %swap3A_312 {strides = array<i32>} : memref<1x512x16xi32, #tpu.memory_space<vmem>>, vector<1x512x1xi32>,
    %reduce_min3A_313 = arith.constant dense<0x7F800000> : vector<512xf32>
    %reduce_min3A_314 = vector.multi_reduction <minimumf>, %select_n3A_304, %reduce_min3A_313 [1] : vector<512x4096xf32> to vector<512xf32>
    %broadcast_in_dim3A_315 = vector.shape_cast %reduce_min3A_314 : vector<512xf32> to vector<512x1xf32>
    %eq3A_316 = vector.broadcast %broadcast_in_dim3A_315 : vector<512x1xf32> to vector<512x4096xf32>
    %eq3A_317 = arith.cmpf oeq, %select_n3A_304, %eq3A_316 : vector<512x4096xf32>
    %jit3A_318 = arith.constant 4096 : i32
    %broadcast_in_dim3A_319 = vector.broadcast %jit3A_318 : i32 to vector<512x4096xi32>
    %select_n3A_320 = arith.select %eq3A_317, %iota3A, %broadcast_in_dim3A_319 : vector<512x4096xi1>, vector<512x4096xi32>
    %reduce_min3A_321 = arith.constant dense<2147483647> : vector<512xi32>
    %reduce_min3A_322 = vector.multi_reduction <minsi>, %select_n3A_320, %reduce_min3A_321 [1] : vector<512x4096xi32> to vector<512xi32>
    %broadcast_in_dim3A_323 = vector.shape_cast %reduce_min3A_322 : vector<512xi32> to vector<512x1xi32>
    %eq3A_324 = vector.broadcast %broadcast_in_dim3A_323 : vector<512x1xi32> to vector<512x4096xi32>
    %eq3A_325 = arith.cmpi eq, %iota3A, %eq3A_324 : vector<512x4096xi32>
    %jit3A_326 = arith.constant 0x7F800000 : f32
    %broadcast_in_dim3A_327 = vector.broadcast %jit3A_326 : f32 to vector<512x4096xf32>
    %select_n3A_328 = arith.select %eq3A_325, %broadcast_in_dim3A_327, %select_n3A_304 : vector<512x4096xi1>, vector<512x4096xf32>
    %add3A_329 = vector.broadcast %mul3A_37 : i32 to vector<512x1xi32>
    %add3A_330 = arith.addi %broadcast_in_dim3A_323, %add3A_329 : vector<512x1xi32>
    %swap3A_331 = arith.constant 0 : index
    %swap3A_332 = arith.constant 0 : index
    %swap3A_333 = arith.constant 11 : index
    %swap3A_334 = vector.load %arg4[%swap3A_331, %swap3A_332, %swap3A_333] : memref<1x512x16xi32, #tpu.memory_space<vmem>>, vector<1x512x1xi32>
    %swap3A_335 = vector.shape_cast %swap3A_334 : vector<1x512x1xi32> to vector<512x1xi32>
    %swap3A_336 = vector.shape_cast %add3A_330 : vector<512x1xi32> to vector<1x512x1xi32>
    tpu.vector_store %arg4[%swap3A_331, %swap3A_332, %swap3A_333], %swap3A_336 {strides = array<i32>} : memref<1x512x16xi32, #tpu.memory_space<vmem>>, vector<1x512x1xi32>,
    %reduce_min3A_337 = arith.constant dense<0x7F800000> : vector<512xf32>
    %reduce_min3A_338 = vector.multi_reduction <minimumf>, %select_n3A_328, %reduce_min3A_337 [1] : vector<512x4096xf32> to vector<512xf32>
    %broadcast_in_dim3A_339 = vector.shape_cast %reduce_min3A_338 : vector<512xf32> to vector<512x1xf32>
    %eq3A_340 = vector.broadcast %broadcast_in_dim3A_339 : vector<512x1xf32> to vector<512x4096xf32>
    %eq3A_341 = arith.cmpf oeq, %select_n3A_328, %eq3A_340 : vector<512x4096xf32>
    %jit3A_342 = arith.constant 4096 : i32
    %broadcast_in_dim3A_343 = vector.broadcast %jit3A_342 : i32 to vector<512x4096xi32>
    %select_n3A_344 = arith.select %eq3A_341, %iota3A, %broadcast_in_dim3A_343 : vector<512x4096xi1>, vector<512x4096xi32>
    %reduce_min3A_345 = arith.constant dense<2147483647> : vector<512xi32>
    %reduce_min3A_346 = vector.multi_reduction <minsi>, %select_n3A_344, %reduce_min3A_345 [1] : vector<512x4096xi32> to vector<512xi32>
    %broadcast_in_dim3A_347 = vector.shape_cast %reduce_min3A_346 : vector<512xi32> to vector<512x1xi32>
    %eq3A_348 = vector.broadcast %broadcast_in_dim3A_347 : vector<512x1xi32> to vector<512x4096xi32>
    %eq3A_349 = arith.cmpi eq, %iota3A, %eq3A_348 : vector<512x4096xi32>
    %jit3A_350 = arith.constant 0x7F800000 : f32
    %broadcast_in_dim3A_351 = vector.broadcast %jit3A_350 : f32 to vector<512x4096xf32>
    %select_n3A_352 = arith.select %eq3A_349, %broadcast_in_dim3A_351, %select_n3A_328 : vector<512x4096xi1>, vector<512x4096xf32>
    %add3A_353 = vector.broadcast %mul3A_37 : i32 to vector<512x1xi32>
    %add3A_354 = arith.addi %broadcast_in_dim3A_347, %add3A_353 : vector<512x1xi32>
    %swap3A_355 = arith.constant 0 : index
    %swap3A_356 = arith.constant 0 : index
    %swap3A_357 = arith.constant 12 : index
    %swap3A_358 = vector.load %arg4[%swap3A_355, %swap3A_356, %swap3A_357] : memref<1x512x16xi32, #tpu.memory_space<vmem>>, vector<1x512x1xi32>
    %swap3A_359 = vector.shape_cast %swap3A_358 : vector<1x512x1xi32> to vector<512x1xi32>
    %swap3A_360 = vector.shape_cast %add3A_354 : vector<512x1xi32> to vector<1x512x1xi32>
    tpu.vector_store %arg4[%swap3A_355, %swap3A_356, %swap3A_357], %swap3A_360 {strides = array<i32>} : memref<1x512x16xi32, #tpu.memory_space<vmem>>, vector<1x512x1xi32>,
    %reduce_min3A_361 = arith.constant dense<0x7F800000> : vector<512xf32>
    %reduce_min3A_362 = vector.multi_reduction <minimumf>, %select_n3A_352, %reduce_min3A_361 [1] : vector<512x4096xf32> to vector<512xf32>
    %broadcast_in_dim3A_363 = vector.shape_cast %reduce_min3A_362 : vector<512xf32> to vector<512x1xf32>
    %eq3A_364 = vector.broadcast %broadcast_in_dim3A_363 : vector<512x1xf32> to vector<512x4096xf32>
    %eq3A_365 = arith.cmpf oeq, %select_n3A_352, %eq3A_364 : vector<512x4096xf32>
    %jit3A_366 = arith.constant 4096 : i32
    %broadcast_in_dim3A_367 = vector.broadcast %jit3A_366 : i32 to vector<512x4096xi32>
    %select_n3A_368 = arith.select %eq3A_365, %iota3A, %broadcast_in_dim3A_367 : vector<512x4096xi1>, vector<512x4096xi32>
    %reduce_min3A_369 = arith.constant dense<2147483647> : vector<512xi32>
    %reduce_min3A_370 = vector.multi_reduction <minsi>, %select_n3A_368, %reduce_min3A_369 [1] : vector<512x4096xi32> to vector<512xi32>
    %broadcast_in_dim3A_371 = vector.shape_cast %reduce_min3A_370 : vector<512xi32> to vector<512x1xi32>
    %eq3A_372 = vector.broadcast %broadcast_in_dim3A_371 : vector<512x1xi32> to vector<512x4096xi32>
    %eq3A_373 = arith.cmpi eq, %iota3A, %eq3A_372 : vector<512x4096xi32>
    %jit3A_374 = arith.constant 0x7F800000 : f32
    %broadcast_in_dim3A_375 = vector.broadcast %jit3A_374 : f32 to vector<512x4096xf32>
    %select_n3A_376 = arith.select %eq3A_373, %broadcast_in_dim3A_375, %select_n3A_352 : vector<512x4096xi1>, vector<512x4096xf32>
    %add3A_377 = vector.broadcast %mul3A_37 : i32 to vector<512x1xi32>
    %add3A_378 = arith.addi %broadcast_in_dim3A_371, %add3A_377 : vector<512x1xi32>
    %swap3A_379 = arith.constant 0 : index
    %swap3A_380 = arith.constant 0 : index
    %swap3A_381 = arith.constant 13 : index
    %swap3A_382 = vector.load %arg4[%swap3A_379, %swap3A_380, %swap3A_381] : memref<1x512x16xi32, #tpu.memory_space<vmem>>, vector<1x512x1xi32>
    %swap3A_383 = vector.shape_cast %swap3A_382 : vector<1x512x1xi32> to vector<512x1xi32>
    %swap3A_384 = vector.shape_cast %add3A_378 : vector<512x1xi32> to vector<1x512x1xi32>
    tpu.vector_store %arg4[%swap3A_379, %swap3A_380, %swap3A_381], %swap3A_384 {strides = array<i32>} : memref<1x512x16xi32, #tpu.memory_space<vmem>>, vector<1x512x1xi32>,
    %reduce_min3A_385 = arith.constant dense<0x7F800000> : vector<512xf32>
    %reduce_min3A_386 = vector.multi_reduction <minimumf>, %select_n3A_376, %reduce_min3A_385 [1] : vector<512x4096xf32> to vector<512xf32>
    %broadcast_in_dim3A_387 = vector.shape_cast %reduce_min3A_386 : vector<512xf32> to vector<512x1xf32>
    %eq3A_388 = vector.broadcast %broadcast_in_dim3A_387 : vector<512x1xf32> to vector<512x4096xf32>
    %eq3A_389 = arith.cmpf oeq, %select_n3A_376, %eq3A_388 : vector<512x4096xf32>
    %jit3A_390 = arith.constant 4096 : i32
    %broadcast_in_dim3A_391 = vector.broadcast %jit3A_390 : i32 to vector<512x4096xi32>
    %select_n3A_392 = arith.select %eq3A_389, %iota3A, %broadcast_in_dim3A_391 : vector<512x4096xi1>, vector<512x4096xi32>
    %reduce_min3A_393 = arith.constant dense<2147483647> : vector<512xi32>
    %reduce_min3A_394 = vector.multi_reduction <minsi>, %select_n3A_392, %reduce_min3A_393 [1] : vector<512x4096xi32> to vector<512xi32>
    %broadcast_in_dim3A_395 = vector.shape_cast %reduce_min3A_394 : vector<512xi32> to vector<512x1xi32>
    %eq3A_396 = vector.broadcast %broadcast_in_dim3A_395 : vector<512x1xi32> to vector<512x4096xi32>
    %eq3A_397 = arith.cmpi eq, %iota3A, %eq3A_396 : vector<512x4096xi32>
    %jit3A_398 = arith.constant 0x7F800000 : f32
    %broadcast_in_dim3A_399 = vector.broadcast %jit3A_398 : f32 to vector<512x4096xf32>
    %select_n3A_400 = arith.select %eq3A_397, %broadcast_in_dim3A_399, %select_n3A_376 : vector<512x4096xi1>, vector<512x4096xf32>
    %add3A_401 = vector.broadcast %mul3A_37 : i32 to vector<512x1xi32>
    %add3A_402 = arith.addi %broadcast_in_dim3A_395, %add3A_401 : vector<512x1xi32>
    %swap3A_403 = arith.constant 0 : index
    %swap3A_404 = arith.constant 0 : index
    %swap3A_405 = arith.constant 14 : index
    %swap3A_406 = vector.load %arg4[%swap3A_403, %swap3A_404, %swap3A_405] : memref<1x512x16xi32, #tpu.memory_space<vmem>>, vector<1x512x1xi32>
    %swap3A_407 = vector.shape_cast %swap3A_406 : vector<1x512x1xi32> to vector<512x1xi32>
    %swap3A_408 = vector.shape_cast %add3A_402 : vector<512x1xi32> to vector<1x512x1xi32>
    tpu.vector_store %arg4[%swap3A_403, %swap3A_404, %swap3A_405], %swap3A_408 {strides = array<i32>} : memref<1x512x16xi32, #tpu.memory_space<vmem>>, vector<1x512x1xi32>,
    %reduce_min3A_409 = arith.constant dense<0x7F800000> : vector<512xf32>
    %reduce_min3A_410 = vector.multi_reduction <minimumf>, %select_n3A_400, %reduce_min3A_409 [1] : vector<512x4096xf32> to vector<512xf32>
    %broadcast_in_dim3A_411 = vector.shape_cast %reduce_min3A_410 : vector<512xf32> to vector<512x1xf32>
    %eq3A_412 = vector.broadcast %broadcast_in_dim3A_411 : vector<512x1xf32> to vector<512x4096xf32>
    %eq3A_413 = arith.cmpf oeq, %select_n3A_400, %eq3A_412 : vector<512x4096xf32>
    %jit3A_414 = arith.constant 4096 : i32
    %broadcast_in_dim3A_415 = vector.broadcast %jit3A_414 : i32 to vector<512x4096xi32>
    %select_n3A_416 = arith.select %eq3A_413, %iota3A, %broadcast_in_dim3A_415 : vector<512x4096xi1>, vector<512x4096xi32>
    %reduce_min3A_417 = arith.constant dense<2147483647> : vector<512xi32>
    %reduce_min3A_418 = vector.multi_reduction <minsi>, %select_n3A_416, %reduce_min3A_417 [1] : vector<512x4096xi32> to vector<512xi32>
    %broadcast_in_dim3A_419 = vector.shape_cast %reduce_min3A_418 : vector<512xi32> to vector<512x1xi32>
    %add3A_420 = vector.broadcast %mul3A_37 : i32 to vector<512x1xi32>
    %add3A_421 = arith.addi %broadcast_in_dim3A_419, %add3A_420 : vector<512x1xi32>
    %swap3A_422 = arith.constant 0 : index
    %swap3A_423 = arith.constant 0 : index
    %swap3A_424 = arith.constant 15 : index
    %swap3A_425 = vector.load %arg4[%swap3A_422, %swap3A_423, %swap3A_424] : memref<1x512x16xi32, #tpu.memory_space<vmem>>, vector<1x512x1xi32>
    %swap3A_426 = vector.shape_cast %swap3A_425 : vector<1x512x1xi32> to vector<512x1xi32>
    %swap3A_427 = vector.shape_cast %add3A_421 : vector<512x1xi32> to vector<1x512x1xi32>
    tpu.vector_store %arg4[%swap3A_422, %swap3A_423, %swap3A_424], %swap3A_427 {strides = array<i32>} : memref<1x512x16xi32, #tpu.memory_space<vmem>>, vector<1x512x1xi32>,
    return
  }
  func.func @transform_0(%arg0: i32, %arg1: i32) -> (i32, i32, i32) {
    %c0_i32 = arith.constant 0 : i32
    %c0_i32_0 = arith.constant 0 : i32
    return %arg0, %arg1, %c0_i32 : i32, i32, i32
  }
  func.func @transform_1(%arg0: i32, %arg1: i32) -> (i32, i32, i32) {
    %c0_i32 = arith.constant 0 : i32
    %c0_i32_0 = arith.constant 0 : i32
    %c0_i32_1 = arith.constant 0 : i32
    return %arg0, %c0_i32, %c0_i32_0 : i32, i32, i32
  }
  func.func @transform_2(%arg0: i32, %arg1: i32) -> (i32, i32, i32) {
    %c0_i32 = arith.constant 0 : i32
    %c0_i32_0 = arith.constant 0 : i32
    return %arg0, %arg1, %c0_i32 : i32, i32, i32
  }
}

module attributes {stable_mosaic.version = 14 : i64} {
  func.func @_edgeconv_kernel(%arg0: i32, %arg1: i32, %arg2: memref<1x512x3xf32, #tpu.memory_space<vmem>>, %arg3: memref<16x1x512x128xf32, #tpu.memory_space<vmem>>, %arg4: memref<9x32xf32, #tpu.memory_space<vmem>>, %arg5: memref<1x32xf32, #tpu.memory_space<vmem>>, %arg6: memref<35x32xf32, #tpu.memory_space<vmem>>, %arg7: memref<1x32xf32, #tpu.memory_space<vmem>>, %arg8: memref<67x32xf32, #tpu.memory_space<vmem>>, %arg9: memref<1x32xf32, #tpu.memory_space<vmem>>, %arg10: memref<99x1xf32, #tpu.memory_space<vmem>>, %arg11: memref<1x1xf32, #tpu.memory_space<vmem>>, %arg12: memref<1x512x128xf32, #tpu.memory_space<vmem>>) attributes {dimension_semantics = [#tpu.dimension_semantics<arbitrary>, #tpu.dimension_semantics<arbitrary>], iteration_bounds = array<i64: 2, 8>, scalar_prefetch = 0 : i64, scratch_operands = 0 : i64, tpu.core_type = #tpu.core_type<tc>, window_params = [{transform_indices = @transform_0, window_bounds = array<i64: 1, 512, 3>}, {transform_indices = @transform_1, window_bounds = array<i64: 16, 1, 512, 128>}, {pipeline_mode = #tpu.pipeline_mode<synchronous>, transform_indices = @transform_2, window_bounds = array<i64: 9, 32>}, {pipeline_mode = #tpu.pipeline_mode<synchronous>, transform_indices = @transform_3, window_bounds = array<i64: 1, 32>}, {pipeline_mode = #tpu.pipeline_mode<synchronous>, transform_indices = @transform_4, window_bounds = array<i64: 35, 32>}, {pipeline_mode = #tpu.pipeline_mode<synchronous>, transform_indices = @transform_5, window_bounds = array<i64: 1, 32>}, {pipeline_mode = #tpu.pipeline_mode<synchronous>, transform_indices = @transform_6, window_bounds = array<i64: 67, 32>}, {pipeline_mode = #tpu.pipeline_mode<synchronous>, transform_indices = @transform_7, window_bounds = array<i64: 1, 32>}, {pipeline_mode = #tpu.pipeline_mode<synchronous>, transform_indices = @transform_8, window_bounds = array<i64: 99, 1>}, {pipeline_mode = #tpu.pipeline_mode<synchronous>, transform_indices = @transform_9, window_bounds = array<i64: 1, 1>}, {transform_indices = @transform_10, window_bounds = array<i64: 1, 512, 128>}]} {
    %get3A = arith.constant 0 : index
    %get3A_0 = arith.constant 0 : index
    %get3A_1 = arith.constant 0 : index
    %get3A_2 = vector.load %arg2[%get3A, %get3A_0, %get3A_1] : memref<1x512x3xf32, #tpu.memory_space<vmem>>, vector<1x512x3xf32>
    %get3A_3 = vector.shape_cast %get3A_2 : vector<1x512x3xf32> to vector<512x3xf32>
    %get3A_4 = arith.constant 0 : index
    %get3A_5 = arith.constant 0 : index
    %get3A_6 = vector.load %arg4[%get3A_4, %get3A_5] : memref<9x32xf32, #tpu.memory_space<vmem>>, vector<9x32xf32>
    %get3A_7 = arith.constant 0 : index
    %get3A_8 = arith.constant 0 : index
    %get3A_9 = vector.load %arg5[%get3A_7, %get3A_8] : memref<1x32xf32, #tpu.memory_space<vmem>>, vector<1x32xf32>
    %get3A_10 = arith.constant 0 : index
    %get3A_11 = arith.constant 0 : index
    %get3A_12 = vector.load %arg6[%get3A_10, %get3A_11] : memref<35x32xf32, #tpu.memory_space<vmem>>, vector<35x32xf32>
    %get3A_13 = arith.constant 0 : index
    %get3A_14 = arith.constant 0 : index
    %get3A_15 = vector.load %arg7[%get3A_13, %get3A_14] : memref<1x32xf32, #tpu.memory_space<vmem>>, vector<1x32xf32>
    %get3A_16 = arith.constant 0 : index
    %get3A_17 = arith.constant 0 : index
    %get3A_18 = vector.load %arg8[%get3A_16, %get3A_17] : memref<67x32xf32, #tpu.memory_space<vmem>>, vector<67x32xf32>
    %get3A_19 = arith.constant 0 : index
    %get3A_20 = arith.constant 0 : index
    %get3A_21 = vector.load %arg9[%get3A_19, %get3A_20] : memref<1x32xf32, #tpu.memory_space<vmem>>, vector<1x32xf32>
    %get3A_22 = arith.constant 0 : index
    %get3A_23 = arith.constant 0 : index
    %get3A_24 = arith.constant 0 : index
    %get3A_25 = arith.constant 0 : index
    %get3A_26 = vector.load %arg3[%get3A_22, %get3A_23, %get3A_24, %get3A_25] : memref<16x1x512x128xf32, #tpu.memory_space<vmem>>, vector<16x1x512x3xf32>
    %get3A_27 = vector.shape_cast %get3A_26 : vector<16x1x512x3xf32> to vector<16x512x3xf32>
    %reshape3A = vector.shape_cast %get3A_27 : vector<16x512x3xf32> to vector<8192x3xf32>
    %broadcast_in_dim3A = vector.shape_cast %get3A_3 : vector<512x3xf32> to vector<1x512x3xf32>
    %broadcast_in_dim3A_28 = vector.shape_cast %broadcast_in_dim3A : vector<1x512x3xf32> to vector<1x512x3xf32>
    %broadcast_in_dim3A_29 = vector.broadcast %broadcast_in_dim3A_28 : vector<1x512x3xf32> to vector<16x512x3xf32>
    %reshape3A_30 = vector.shape_cast %broadcast_in_dim3A_29 : vector<16x512x3xf32> to vector<8192x3xf32>
    %sub3A = arith.subf %reshape3A, %reshape3A_30 : vector<8192x3xf32>
    %concatenate3A = tpu.concatenate %reshape3A_30, %reshape3A, %sub3A in 1 : vector<8192x3xf32>, vector<8192x3xf32>, vector<8192x3xf32> -> vector<8192x9xf32>
    %dot_general3A = arith.constant dense<0.000000e+00> : vector<8192x32xf32>
    %dot_general3A_31 = tpu.matmul %concatenate3A, %get3A_6, %dot_general3A {dimension_numbers = #tpu.dot_dimension_numbers<[1], [0], [0], [1], [0, 0, 1, 1], [], []>, transpose_lhs_hint = false} : vector<8192x9xf32>, vector<9x32xf32>, vector<8192x32xf32> -> vector<8192x32xf32>
    %add3A = vector.broadcast %get3A_9 : vector<1x32xf32> to vector<8192x32xf32>
    %add3A_32 = arith.addf %dot_general3A_31, %add3A : vector<8192x32xf32>
    %max3A = arith.constant 0.000000e+00 : f32
    %max3A_33 = vector.broadcast %max3A : f32 to vector<8192x32xf32>
    %max3A_34 = arith.maximumf %add3A_32, %max3A_33 : vector<8192x32xf32>
    %concatenate3A_35 = tpu.concatenate %max3A_34, %reshape3A_30 in 1 : vector<8192x32xf32>, vector<8192x3xf32> -> vector<8192x35xf32>
    %dot_general3A_36 = arith.constant dense<0.000000e+00> : vector<8192x32xf32>
    %dot_general3A_37 = tpu.matmul %concatenate3A_35, %get3A_12, %dot_general3A_36 {dimension_numbers = #tpu.dot_dimension_numbers<[1], [0], [0], [1], [0, 0, 1, 1], [], []>, transpose_lhs_hint = false} : vector<8192x35xf32>, vector<35x32xf32>, vector<8192x32xf32> -> vector<8192x32xf32>
    %add3A_38 = vector.broadcast %get3A_15 : vector<1x32xf32> to vector<8192x32xf32>
    %add3A_39 = arith.addf %dot_general3A_37, %add3A_38 : vector<8192x32xf32>
    %max3A_40 = arith.constant 0.000000e+00 : f32
    %max3A_41 = vector.broadcast %max3A_40 : f32 to vector<8192x32xf32>
    %max3A_42 = arith.maximumf %add3A_39, %max3A_41 : vector<8192x32xf32>
    %concatenate3A_43 = tpu.concatenate %max3A_42, %concatenate3A_35 in 1 : vector<8192x32xf32>, vector<8192x35xf32> -> vector<8192x67xf32>
    %dot_general3A_44 = arith.constant dense<0.000000e+00> : vector<8192x32xf32>
    %dot_general3A_45 = tpu.matmul %concatenate3A_43, %get3A_18, %dot_general3A_44 {dimension_numbers = #tpu.dot_dimension_numbers<[1], [0], [0], [1], [0, 0, 1, 1], [], []>, transpose_lhs_hint = false} : vector<8192x67xf32>, vector<67x32xf32>, vector<8192x32xf32> -> vector<8192x32xf32>
    %add3A_46 = vector.broadcast %get3A_21 : vector<1x32xf32> to vector<8192x32xf32>
    %add3A_47 = arith.addf %dot_general3A_45, %add3A_46 : vector<8192x32xf32>
    %concatenate3A_48 = tpu.concatenate %add3A_47, %concatenate3A_43 in 1 : vector<8192x32xf32>, vector<8192x67xf32> -> vector<8192x99xf32>
    %reshape3A_49 = vector.shape_cast %concatenate3A_48 : vector<8192x99xf32> to vector<16x512x99xf32>
    %reduce_max3A = arith.constant dense<0xFF800000> : vector<512x99xf32>
    %reduce_max3A_50 = vector.multi_reduction <maximumf>, %reshape3A_49, %reduce_max3A [0] : vector<16x512x99xf32> to vector<512x99xf32>
    %get3A_51 = arith.constant 0 : index
    %get3A_52 = arith.constant 0 : index
    %get3A_53 = vector.load %arg10[%get3A_51, %get3A_52] : memref<99x1xf32, #tpu.memory_space<vmem>>, vector<99x1xf32>
    %mul3A = arith.mulf %get3A_53, %get3A_53 : vector<99x1xf32>
    %reduce_sum3A = vector.shape_cast %mul3A : vector<99x1xf32> to vector<1x99x1xf32>
    %reduce_sum3A_54 = arith.constant dense<0.000000e+00> : vector<1xf32>
    %reduce_sum3A_55 = vector.multi_reduction <add>, %reduce_sum3A, %reduce_sum3A_54 [1, 2] : vector<1x99x1xf32> to vector<1xf32>
    %reduce_sum3A_56 = vector.shape_cast %reduce_sum3A_55 : vector<1xf32> to vector<1x1x1xf32>
    %reduce_sum3A_57 = vector.extract %reduce_sum3A_56[0, 0, 0] : f32 from vector<1x1x1xf32>
    %sqrt3A = math.sqrt %reduce_sum3A_57 : f32
    %dot_general3A_58 = arith.constant dense<0.000000e+00> : vector<512x1xf32>
    %dot_general3A_59 = tpu.matmul %reduce_max3A_50, %get3A_53, %dot_general3A_58 {dimension_numbers = #tpu.dot_dimension_numbers<[1], [0], [0], [1], [0, 0, 1, 1], [], []>, transpose_lhs_hint = false} : vector<512x99xf32>, vector<99x1xf32>, vector<512x1xf32> -> vector<512x1xf32>
    %get3A_60 = arith.constant 0 : index
    %get3A_61 = arith.constant 0 : index
    %get3A_62 = vector.load %arg11[%get3A_60, %get3A_61] : memref<1x1xf32, #tpu.memory_space<vmem>>, vector<1x1xf32>
    %get3A_63 = vector.extract %get3A_62[0, 0] : f32 from vector<1x1xf32>
    %add3A_64 = vector.broadcast %get3A_63 : f32 to vector<512x1xf32>
    %add3A_65 = arith.addf %dot_general3A_59, %add3A_64 : vector<512x1xf32>
    %div3A = vector.broadcast %sqrt3A : f32 to vector<512x1xf32>
    %div3A_66 = arith.divf %add3A_65, %div3A : vector<512x1xf32>
    %broadcast_in_dim3A_67 = arith.constant 0.000000e+00 : f32
    %broadcast_in_dim3A_68 = vector.broadcast %broadcast_in_dim3A_67 : f32 to vector<512x25xf32>
    %concatenate3A_69 = tpu.concatenate %reduce_max3A_50, %div3A_66, %get3A_3, %broadcast_in_dim3A_68 in 1 : vector<512x99xf32>, vector<512x1xf32>, vector<512x3xf32>, vector<512x25xf32> -> vector<512x128xf32>
    %swap3A = arith.constant 0 : index
    %swap3A_70 = arith.constant 0 : index
    %swap3A_71 = arith.constant 0 : index
    %swap3A_72 = vector.load %arg12[%swap3A, %swap3A_70, %swap3A_71] : memref<1x512x128xf32, #tpu.memory_space<vmem>>, vector<1x512x128xf32>
    %swap3A_73 = vector.shape_cast %swap3A_72 : vector<1x512x128xf32> to vector<512x128xf32>
    %swap3A_74 = vector.shape_cast %concatenate3A_69 : vector<512x128xf32> to vector<1x512x128xf32>
    tpu.vector_store %arg12[%swap3A, %swap3A_70, %swap3A_71], %swap3A_74 {strides = array<i32>} : memref<1x512x128xf32, #tpu.memory_space<vmem>>, vector<1x512x128xf32>,
    return
  }
  func.func @transform_0(%arg0: i32, %arg1: i32) -> (i32, i32, i32) {
    %c0_i32 = arith.constant 0 : i32
    %c0_i32_0 = arith.constant 0 : i32
    return %arg0, %arg1, %c0_i32 : i32, i32, i32
  }
  func.func @transform_1(%arg0: i32, %arg1: i32) -> (i32, i32, i32, i32) {
    %c0_i32 = arith.constant 0 : i32
    %c0_i32_0 = arith.constant 0 : i32
    %c0_i32_1 = arith.constant 0 : i32
    return %c0_i32, %arg0, %arg1, %c0_i32_0 : i32, i32, i32, i32
  }
  func.func @transform_2(%arg0: i32, %arg1: i32) -> (i32, i32) {
    %c0_i32 = arith.constant 0 : i32
    %c0_i32_0 = arith.constant 0 : i32
    %c0_i32_1 = arith.constant 0 : i32
    return %c0_i32, %c0_i32_0 : i32, i32
  }
  func.func @transform_3(%arg0: i32, %arg1: i32) -> (i32, i32) {
    %c0_i32 = arith.constant 0 : i32
    %c0_i32_0 = arith.constant 0 : i32
    %c0_i32_1 = arith.constant 0 : i32
    return %c0_i32, %c0_i32_0 : i32, i32
  }
  func.func @transform_4(%arg0: i32, %arg1: i32) -> (i32, i32) {
    %c0_i32 = arith.constant 0 : i32
    %c0_i32_0 = arith.constant 0 : i32
    %c0_i32_1 = arith.constant 0 : i32
    return %c0_i32, %c0_i32_0 : i32, i32
  }
  func.func @transform_5(%arg0: i32, %arg1: i32) -> (i32, i32) {
    %c0_i32 = arith.constant 0 : i32
    %c0_i32_0 = arith.constant 0 : i32
    %c0_i32_1 = arith.constant 0 : i32
    return %c0_i32, %c0_i32_0 : i32, i32
  }
  func.func @transform_6(%arg0: i32, %arg1: i32) -> (i32, i32) {
    %c0_i32 = arith.constant 0 : i32
    %c0_i32_0 = arith.constant 0 : i32
    %c0_i32_1 = arith.constant 0 : i32
    return %c0_i32, %c0_i32_0 : i32, i32
  }
  func.func @transform_7(%arg0: i32, %arg1: i32) -> (i32, i32) {
    %c0_i32 = arith.constant 0 : i32
    %c0_i32_0 = arith.constant 0 : i32
    %c0_i32_1 = arith.constant 0 : i32
    return %c0_i32, %c0_i32_0 : i32, i32
  }
  func.func @transform_8(%arg0: i32, %arg1: i32) -> (i32, i32) {
    %c0_i32 = arith.constant 0 : i32
    %c0_i32_0 = arith.constant 0 : i32
    %c0_i32_1 = arith.constant 0 : i32
    return %c0_i32, %c0_i32_0 : i32, i32
  }
  func.func @transform_9(%arg0: i32, %arg1: i32) -> (i32, i32) {
    %c0_i32 = arith.constant 0 : i32
    %c0_i32_0 = arith.constant 0 : i32
    %c0_i32_1 = arith.constant 0 : i32
    return %c0_i32, %c0_i32_0 : i32, i32
  }
  func.func @transform_10(%arg0: i32, %arg1: i32) -> (i32, i32, i32) {
    %c0_i32 = arith.constant 0 : i32
    %c0_i32_0 = arith.constant 0 : i32
    return %arg0, %arg1, %c0_i32 : i32, i32, i32
  }
}

module attributes {stable_mosaic.version = 14 : i64} {
  func.func @_rank_kernel(%arg0: i32, %arg1: memref<1x1x4096xf32, #tpu.memory_space<vmem>>, %arg2: memref<1x4096x1xf32, #tpu.memory_space<vmem>>, %arg3: memref<1x1x4096xi32, #tpu.memory_space<vmem>>) attributes {dimension_semantics = [#tpu.dimension_semantics<arbitrary>], iteration_bounds = array<i64: 2>, scalar_prefetch = 0 : i64, scratch_operands = 0 : i64, tpu.core_type = #tpu.core_type<tc>, window_params = [{transform_indices = @transform_0, window_bounds = array<i64: 1, 1, 4096>}, {transform_indices = @transform_1, window_bounds = array<i64: 1, 4096, 1>}, {transform_indices = @transform_2, window_bounds = array<i64: 1, 1, 4096>}]} {
    %get3A = arith.constant 0 : index
    %get3A_0 = arith.constant 0 : index
    %get3A_1 = arith.constant 0 : index
    %get3A_2 = vector.load %arg1[%get3A, %get3A_0, %get3A_1] : memref<1x1x4096xf32, #tpu.memory_space<vmem>>, vector<1x1x4096xf32>
    %get3A_3 = vector.shape_cast %get3A_2 : vector<1x1x4096xf32> to vector<1x4096xf32>
    %iota3A = tpu.iota {dimensions = array<i32: 1>} : vector<1x4096xi32>
    %broadcast_in_dim3A = arith.constant 0 : i32
    %broadcast_in_dim3A_4 = vector.broadcast %broadcast_in_dim3A : i32 to vector<1x4096xi32>
    %get3A_5 = arith.constant 0 : index
    %get3A_6 = arith.constant 0 : index
    %get3A_7 = arith.constant 0 : index
    %get3A_8 = vector.load %arg2[%get3A_5, %get3A_6, %get3A_7] : memref<1x4096x1xf32, #tpu.memory_space<vmem>>, vector<1x256x1xf32>
    %get3A_9 = vector.shape_cast %get3A_8 : vector<1x256x1xf32> to vector<256x1xf32>
    %iota3A_10 = tpu.iota {dimensions = array<i32: 0>} : vector<256x1xi32>
    %add3A = arith.constant 0 : i32
    %add3A_11 = vector.broadcast %add3A : i32 to vector<256x1xi32>
    %add3A_12 = arith.addi %iota3A_10, %add3A_11 : vector<256x1xi32>
    %gt3A = vector.broadcast %get3A_9 : vector<256x1xf32> to vector<256x4096xf32>
    %gt3A_13 = vector.broadcast %get3A_3 : vector<1x4096xf32> to vector<256x4096xf32>
    %gt3A_14 = arith.cmpf ogt, %gt3A, %gt3A_13 : vector<256x4096xf32>
    %eq3A = vector.broadcast %get3A_9 : vector<256x1xf32> to vector<256x4096xf32>
    %eq3A_15 = vector.broadcast %get3A_3 : vector<1x4096xf32> to vector<256x4096xf32>
    %eq3A_16 = arith.cmpf oeq, %eq3A, %eq3A_15 : vector<256x4096xf32>
    %lt3A = vector.broadcast %add3A_12 : vector<256x1xi32> to vector<256x4096xi32>
    %lt3A_17 = vector.broadcast %iota3A : vector<1x4096xi32> to vector<256x4096xi32>
    %lt3A_18 = arith.cmpi slt, %lt3A, %lt3A_17 : vector<256x4096xi32>
    %and3A = arith.andi %eq3A_16, %lt3A_18 : vector<256x4096xi1>
    %or3A = arith.ori %gt3A_14, %and3A : vector<256x4096xi1>
    %convert_element_type3A = arith.extui %or3A : vector<256x4096xi1> to vector<256x4096xi32>
    %reduce_sum3A = arith.constant dense<0> : vector<4096xi32>
    %reduce_sum3A_19 = vector.multi_reduction <add>, %convert_element_type3A, %reduce_sum3A [0] : vector<256x4096xi32> to vector<4096xi32>
    %broadcast_in_dim3A_20 = vector.shape_cast %reduce_sum3A_19 : vector<4096xi32> to vector<1x4096xi32>
    %add3A_21 = arith.addi %broadcast_in_dim3A_4, %broadcast_in_dim3A_20 : vector<1x4096xi32>
    %get3A_22 = arith.constant 0 : index
    %get3A_23 = arith.constant 256 : index
    %get3A_24 = arith.constant 0 : index
    %get3A_25 = vector.load %arg2[%get3A_22, %get3A_23, %get3A_24] : memref<1x4096x1xf32, #tpu.memory_space<vmem>>, vector<1x256x1xf32>
    %get3A_26 = vector.shape_cast %get3A_25 : vector<1x256x1xf32> to vector<256x1xf32>
    %iota3A_27 = tpu.iota {dimensions = array<i32: 0>} : vector<256x1xi32>
    %add3A_28 = arith.constant 256 : i32
    %add3A_29 = vector.broadcast %add3A_28 : i32 to vector<256x1xi32>
    %add3A_30 = arith.addi %iota3A_27, %add3A_29 : vector<256x1xi32>
    %gt3A_31 = vector.broadcast %get3A_26 : vector<256x1xf32> to vector<256x4096xf32>
    %gt3A_32 = vector.broadcast %get3A_3 : vector<1x4096xf32> to vector<256x4096xf32>
    %gt3A_33 = arith.cmpf ogt, %gt3A_31, %gt3A_32 : vector<256x4096xf32>
    %eq3A_34 = vector.broadcast %get3A_26 : vector<256x1xf32> to vector<256x4096xf32>
    %eq3A_35 = vector.broadcast %get3A_3 : vector<1x4096xf32> to vector<256x4096xf32>
    %eq3A_36 = arith.cmpf oeq, %eq3A_34, %eq3A_35 : vector<256x4096xf32>
    %lt3A_37 = vector.broadcast %add3A_30 : vector<256x1xi32> to vector<256x4096xi32>
    %lt3A_38 = vector.broadcast %iota3A : vector<1x4096xi32> to vector<256x4096xi32>
    %lt3A_39 = arith.cmpi slt, %lt3A_37, %lt3A_38 : vector<256x4096xi32>
    %and3A_40 = arith.andi %eq3A_36, %lt3A_39 : vector<256x4096xi1>
    %or3A_41 = arith.ori %gt3A_33, %and3A_40 : vector<256x4096xi1>
    %convert_element_type3A_42 = arith.extui %or3A_41 : vector<256x4096xi1> to vector<256x4096xi32>
    %reduce_sum3A_43 = arith.constant dense<0> : vector<4096xi32>
    %reduce_sum3A_44 = vector.multi_reduction <add>, %convert_element_type3A_42, %reduce_sum3A_43 [0] : vector<256x4096xi32> to vector<4096xi32>
    %broadcast_in_dim3A_45 = vector.shape_cast %reduce_sum3A_44 : vector<4096xi32> to vector<1x4096xi32>
    %add3A_46 = arith.addi %add3A_21, %broadcast_in_dim3A_45 : vector<1x4096xi32>
    %get3A_47 = arith.constant 0 : index
    %get3A_48 = arith.constant 512 : index
    %get3A_49 = arith.constant 0 : index
    %get3A_50 = vector.load %arg2[%get3A_47, %get3A_48, %get3A_49] : memref<1x4096x1xf32, #tpu.memory_space<vmem>>, vector<1x256x1xf32>
    %get3A_51 = vector.shape_cast %get3A_50 : vector<1x256x1xf32> to vector<256x1xf32>
    %iota3A_52 = tpu.iota {dimensions = array<i32: 0>} : vector<256x1xi32>
    %add3A_53 = arith.constant 512 : i32
    %add3A_54 = vector.broadcast %add3A_53 : i32 to vector<256x1xi32>
    %add3A_55 = arith.addi %iota3A_52, %add3A_54 : vector<256x1xi32>
    %gt3A_56 = vector.broadcast %get3A_51 : vector<256x1xf32> to vector<256x4096xf32>
    %gt3A_57 = vector.broadcast %get3A_3 : vector<1x4096xf32> to vector<256x4096xf32>
    %gt3A_58 = arith.cmpf ogt, %gt3A_56, %gt3A_57 : vector<256x4096xf32>
    %eq3A_59 = vector.broadcast %get3A_51 : vector<256x1xf32> to vector<256x4096xf32>
    %eq3A_60 = vector.broadcast %get3A_3 : vector<1x4096xf32> to vector<256x4096xf32>
    %eq3A_61 = arith.cmpf oeq, %eq3A_59, %eq3A_60 : vector<256x4096xf32>
    %lt3A_62 = vector.broadcast %add3A_55 : vector<256x1xi32> to vector<256x4096xi32>
    %lt3A_63 = vector.broadcast %iota3A : vector<1x4096xi32> to vector<256x4096xi32>
    %lt3A_64 = arith.cmpi slt, %lt3A_62, %lt3A_63 : vector<256x4096xi32>
    %and3A_65 = arith.andi %eq3A_61, %lt3A_64 : vector<256x4096xi1>
    %or3A_66 = arith.ori %gt3A_58, %and3A_65 : vector<256x4096xi1>
    %convert_element_type3A_67 = arith.extui %or3A_66 : vector<256x4096xi1> to vector<256x4096xi32>
    %reduce_sum3A_68 = arith.constant dense<0> : vector<4096xi32>
    %reduce_sum3A_69 = vector.multi_reduction <add>, %convert_element_type3A_67, %reduce_sum3A_68 [0] : vector<256x4096xi32> to vector<4096xi32>
    %broadcast_in_dim3A_70 = vector.shape_cast %reduce_sum3A_69 : vector<4096xi32> to vector<1x4096xi32>
    %add3A_71 = arith.addi %add3A_46, %broadcast_in_dim3A_70 : vector<1x4096xi32>
    %get3A_72 = arith.constant 0 : index
    %get3A_73 = arith.constant 768 : index
    %get3A_74 = arith.constant 0 : index
    %get3A_75 = vector.load %arg2[%get3A_72, %get3A_73, %get3A_74] : memref<1x4096x1xf32, #tpu.memory_space<vmem>>, vector<1x256x1xf32>
    %get3A_76 = vector.shape_cast %get3A_75 : vector<1x256x1xf32> to vector<256x1xf32>
    %iota3A_77 = tpu.iota {dimensions = array<i32: 0>} : vector<256x1xi32>
    %add3A_78 = arith.constant 768 : i32
    %add3A_79 = vector.broadcast %add3A_78 : i32 to vector<256x1xi32>
    %add3A_80 = arith.addi %iota3A_77, %add3A_79 : vector<256x1xi32>
    %gt3A_81 = vector.broadcast %get3A_76 : vector<256x1xf32> to vector<256x4096xf32>
    %gt3A_82 = vector.broadcast %get3A_3 : vector<1x4096xf32> to vector<256x4096xf32>
    %gt3A_83 = arith.cmpf ogt, %gt3A_81, %gt3A_82 : vector<256x4096xf32>
    %eq3A_84 = vector.broadcast %get3A_76 : vector<256x1xf32> to vector<256x4096xf32>
    %eq3A_85 = vector.broadcast %get3A_3 : vector<1x4096xf32> to vector<256x4096xf32>
    %eq3A_86 = arith.cmpf oeq, %eq3A_84, %eq3A_85 : vector<256x4096xf32>
    %lt3A_87 = vector.broadcast %add3A_80 : vector<256x1xi32> to vector<256x4096xi32>
    %lt3A_88 = vector.broadcast %iota3A : vector<1x4096xi32> to vector<256x4096xi32>
    %lt3A_89 = arith.cmpi slt, %lt3A_87, %lt3A_88 : vector<256x4096xi32>
    %and3A_90 = arith.andi %eq3A_86, %lt3A_89 : vector<256x4096xi1>
    %or3A_91 = arith.ori %gt3A_83, %and3A_90 : vector<256x4096xi1>
    %convert_element_type3A_92 = arith.extui %or3A_91 : vector<256x4096xi1> to vector<256x4096xi32>
    %reduce_sum3A_93 = arith.constant dense<0> : vector<4096xi32>
    %reduce_sum3A_94 = vector.multi_reduction <add>, %convert_element_type3A_92, %reduce_sum3A_93 [0] : vector<256x4096xi32> to vector<4096xi32>
    %broadcast_in_dim3A_95 = vector.shape_cast %reduce_sum3A_94 : vector<4096xi32> to vector<1x4096xi32>
    %add3A_96 = arith.addi %add3A_71, %broadcast_in_dim3A_95 : vector<1x4096xi32>
    %get3A_97 = arith.constant 0 : index
    %get3A_98 = arith.constant 1024 : index
    %get3A_99 = arith.constant 0 : index
    %get3A_100 = vector.load %arg2[%get3A_97, %get3A_98, %get3A_99] : memref<1x4096x1xf32, #tpu.memory_space<vmem>>, vector<1x256x1xf32>
    %get3A_101 = vector.shape_cast %get3A_100 : vector<1x256x1xf32> to vector<256x1xf32>
    %iota3A_102 = tpu.iota {dimensions = array<i32: 0>} : vector<256x1xi32>
    %add3A_103 = arith.constant 1024 : i32
    %add3A_104 = vector.broadcast %add3A_103 : i32 to vector<256x1xi32>
    %add3A_105 = arith.addi %iota3A_102, %add3A_104 : vector<256x1xi32>
    %gt3A_106 = vector.broadcast %get3A_101 : vector<256x1xf32> to vector<256x4096xf32>
    %gt3A_107 = vector.broadcast %get3A_3 : vector<1x4096xf32> to vector<256x4096xf32>
    %gt3A_108 = arith.cmpf ogt, %gt3A_106, %gt3A_107 : vector<256x4096xf32>
    %eq3A_109 = vector.broadcast %get3A_101 : vector<256x1xf32> to vector<256x4096xf32>
    %eq3A_110 = vector.broadcast %get3A_3 : vector<1x4096xf32> to vector<256x4096xf32>
    %eq3A_111 = arith.cmpf oeq, %eq3A_109, %eq3A_110 : vector<256x4096xf32>
    %lt3A_112 = vector.broadcast %add3A_105 : vector<256x1xi32> to vector<256x4096xi32>
    %lt3A_113 = vector.broadcast %iota3A : vector<1x4096xi32> to vector<256x4096xi32>
    %lt3A_114 = arith.cmpi slt, %lt3A_112, %lt3A_113 : vector<256x4096xi32>
    %and3A_115 = arith.andi %eq3A_111, %lt3A_114 : vector<256x4096xi1>
    %or3A_116 = arith.ori %gt3A_108, %and3A_115 : vector<256x4096xi1>
    %convert_element_type3A_117 = arith.extui %or3A_116 : vector<256x4096xi1> to vector<256x4096xi32>
    %reduce_sum3A_118 = arith.constant dense<0> : vector<4096xi32>
    %reduce_sum3A_119 = vector.multi_reduction <add>, %convert_element_type3A_117, %reduce_sum3A_118 [0] : vector<256x4096xi32> to vector<4096xi32>
    %broadcast_in_dim3A_120 = vector.shape_cast %reduce_sum3A_119 : vector<4096xi32> to vector<1x4096xi32>
    %add3A_121 = arith.addi %add3A_96, %broadcast_in_dim3A_120 : vector<1x4096xi32>
    %get3A_122 = arith.constant 0 : index
    %get3A_123 = arith.constant 1280 : index
    %get3A_124 = arith.constant 0 : index
    %get3A_125 = vector.load %arg2[%get3A_122, %get3A_123, %get3A_124] : memref<1x4096x1xf32, #tpu.memory_space<vmem>>, vector<1x256x1xf32>
    %get3A_126 = vector.shape_cast %get3A_125 : vector<1x256x1xf32> to vector<256x1xf32>
    %iota3A_127 = tpu.iota {dimensions = array<i32: 0>} : vector<256x1xi32>
    %add3A_128 = arith.constant 1280 : i32
    %add3A_129 = vector.broadcast %add3A_128 : i32 to vector<256x1xi32>
    %add3A_130 = arith.addi %iota3A_127, %add3A_129 : vector<256x1xi32>
    %gt3A_131 = vector.broadcast %get3A_126 : vector<256x1xf32> to vector<256x4096xf32>
    %gt3A_132 = vector.broadcast %get3A_3 : vector<1x4096xf32> to vector<256x4096xf32>
    %gt3A_133 = arith.cmpf ogt, %gt3A_131, %gt3A_132 : vector<256x4096xf32>
    %eq3A_134 = vector.broadcast %get3A_126 : vector<256x1xf32> to vector<256x4096xf32>
    %eq3A_135 = vector.broadcast %get3A_3 : vector<1x4096xf32> to vector<256x4096xf32>
    %eq3A_136 = arith.cmpf oeq, %eq3A_134, %eq3A_135 : vector<256x4096xf32>
    %lt3A_137 = vector.broadcast %add3A_130 : vector<256x1xi32> to vector<256x4096xi32>
    %lt3A_138 = vector.broadcast %iota3A : vector<1x4096xi32> to vector<256x4096xi32>
    %lt3A_139 = arith.cmpi slt, %lt3A_137, %lt3A_138 : vector<256x4096xi32>
    %and3A_140 = arith.andi %eq3A_136, %lt3A_139 : vector<256x4096xi1>
    %or3A_141 = arith.ori %gt3A_133, %and3A_140 : vector<256x4096xi1>
    %convert_element_type3A_142 = arith.extui %or3A_141 : vector<256x4096xi1> to vector<256x4096xi32>
    %reduce_sum3A_143 = arith.constant dense<0> : vector<4096xi32>
    %reduce_sum3A_144 = vector.multi_reduction <add>, %convert_element_type3A_142, %reduce_sum3A_143 [0] : vector<256x4096xi32> to vector<4096xi32>
    %broadcast_in_dim3A_145 = vector.shape_cast %reduce_sum3A_144 : vector<4096xi32> to vector<1x4096xi32>
    %add3A_146 = arith.addi %add3A_121, %broadcast_in_dim3A_145 : vector<1x4096xi32>
    %get3A_147 = arith.constant 0 : index
    %get3A_148 = arith.constant 1536 : index
    %get3A_149 = arith.constant 0 : index
    %get3A_150 = vector.load %arg2[%get3A_147, %get3A_148, %get3A_149] : memref<1x4096x1xf32, #tpu.memory_space<vmem>>, vector<1x256x1xf32>
    %get3A_151 = vector.shape_cast %get3A_150 : vector<1x256x1xf32> to vector<256x1xf32>
    %iota3A_152 = tpu.iota {dimensions = array<i32: 0>} : vector<256x1xi32>
    %add3A_153 = arith.constant 1536 : i32
    %add3A_154 = vector.broadcast %add3A_153 : i32 to vector<256x1xi32>
    %add3A_155 = arith.addi %iota3A_152, %add3A_154 : vector<256x1xi32>
    %gt3A_156 = vector.broadcast %get3A_151 : vector<256x1xf32> to vector<256x4096xf32>
    %gt3A_157 = vector.broadcast %get3A_3 : vector<1x4096xf32> to vector<256x4096xf32>
    %gt3A_158 = arith.cmpf ogt, %gt3A_156, %gt3A_157 : vector<256x4096xf32>
    %eq3A_159 = vector.broadcast %get3A_151 : vector<256x1xf32> to vector<256x4096xf32>
    %eq3A_160 = vector.broadcast %get3A_3 : vector<1x4096xf32> to vector<256x4096xf32>
    %eq3A_161 = arith.cmpf oeq, %eq3A_159, %eq3A_160 : vector<256x4096xf32>
    %lt3A_162 = vector.broadcast %add3A_155 : vector<256x1xi32> to vector<256x4096xi32>
    %lt3A_163 = vector.broadcast %iota3A : vector<1x4096xi32> to vector<256x4096xi32>
    %lt3A_164 = arith.cmpi slt, %lt3A_162, %lt3A_163 : vector<256x4096xi32>
    %and3A_165 = arith.andi %eq3A_161, %lt3A_164 : vector<256x4096xi1>
    %or3A_166 = arith.ori %gt3A_158, %and3A_165 : vector<256x4096xi1>
    %convert_element_type3A_167 = arith.extui %or3A_166 : vector<256x4096xi1> to vector<256x4096xi32>
    %reduce_sum3A_168 = arith.constant dense<0> : vector<4096xi32>
    %reduce_sum3A_169 = vector.multi_reduction <add>, %convert_element_type3A_167, %reduce_sum3A_168 [0] : vector<256x4096xi32> to vector<4096xi32>
    %broadcast_in_dim3A_170 = vector.shape_cast %reduce_sum3A_169 : vector<4096xi32> to vector<1x4096xi32>
    %add3A_171 = arith.addi %add3A_146, %broadcast_in_dim3A_170 : vector<1x4096xi32>
    %get3A_172 = arith.constant 0 : index
    %get3A_173 = arith.constant 1792 : index
    %get3A_174 = arith.constant 0 : index
    %get3A_175 = vector.load %arg2[%get3A_172, %get3A_173, %get3A_174] : memref<1x4096x1xf32, #tpu.memory_space<vmem>>, vector<1x256x1xf32>
    %get3A_176 = vector.shape_cast %get3A_175 : vector<1x256x1xf32> to vector<256x1xf32>
    %iota3A_177 = tpu.iota {dimensions = array<i32: 0>} : vector<256x1xi32>
    %add3A_178 = arith.constant 1792 : i32
    %add3A_179 = vector.broadcast %add3A_178 : i32 to vector<256x1xi32>
    %add3A_180 = arith.addi %iota3A_177, %add3A_179 : vector<256x1xi32>
    %gt3A_181 = vector.broadcast %get3A_176 : vector<256x1xf32> to vector<256x4096xf32>
    %gt3A_182 = vector.broadcast %get3A_3 : vector<1x4096xf32> to vector<256x4096xf32>
    %gt3A_183 = arith.cmpf ogt, %gt3A_181, %gt3A_182 : vector<256x4096xf32>
    %eq3A_184 = vector.broadcast %get3A_176 : vector<256x1xf32> to vector<256x4096xf32>
    %eq3A_185 = vector.broadcast %get3A_3 : vector<1x4096xf32> to vector<256x4096xf32>
    %eq3A_186 = arith.cmpf oeq, %eq3A_184, %eq3A_185 : vector<256x4096xf32>
    %lt3A_187 = vector.broadcast %add3A_180 : vector<256x1xi32> to vector<256x4096xi32>
    %lt3A_188 = vector.broadcast %iota3A : vector<1x4096xi32> to vector<256x4096xi32>
    %lt3A_189 = arith.cmpi slt, %lt3A_187, %lt3A_188 : vector<256x4096xi32>
    %and3A_190 = arith.andi %eq3A_186, %lt3A_189 : vector<256x4096xi1>
    %or3A_191 = arith.ori %gt3A_183, %and3A_190 : vector<256x4096xi1>
    %convert_element_type3A_192 = arith.extui %or3A_191 : vector<256x4096xi1> to vector<256x4096xi32>
    %reduce_sum3A_193 = arith.constant dense<0> : vector<4096xi32>
    %reduce_sum3A_194 = vector.multi_reduction <add>, %convert_element_type3A_192, %reduce_sum3A_193 [0] : vector<256x4096xi32> to vector<4096xi32>
    %broadcast_in_dim3A_195 = vector.shape_cast %reduce_sum3A_194 : vector<4096xi32> to vector<1x4096xi32>
    %add3A_196 = arith.addi %add3A_171, %broadcast_in_dim3A_195 : vector<1x4096xi32>
    %get3A_197 = arith.constant 0 : index
    %get3A_198 = arith.constant 2048 : index
    %get3A_199 = arith.constant 0 : index
    %get3A_200 = vector.load %arg2[%get3A_197, %get3A_198, %get3A_199] : memref<1x4096x1xf32, #tpu.memory_space<vmem>>, vector<1x256x1xf32>
    %get3A_201 = vector.shape_cast %get3A_200 : vector<1x256x1xf32> to vector<256x1xf32>
    %iota3A_202 = tpu.iota {dimensions = array<i32: 0>} : vector<256x1xi32>
    %add3A_203 = arith.constant 2048 : i32
    %add3A_204 = vector.broadcast %add3A_203 : i32 to vector<256x1xi32>
    %add3A_205 = arith.addi %iota3A_202, %add3A_204 : vector<256x1xi32>
    %gt3A_206 = vector.broadcast %get3A_201 : vector<256x1xf32> to vector<256x4096xf32>
    %gt3A_207 = vector.broadcast %get3A_3 : vector<1x4096xf32> to vector<256x4096xf32>
    %gt3A_208 = arith.cmpf ogt, %gt3A_206, %gt3A_207 : vector<256x4096xf32>
    %eq3A_209 = vector.broadcast %get3A_201 : vector<256x1xf32> to vector<256x4096xf32>
    %eq3A_210 = vector.broadcast %get3A_3 : vector<1x4096xf32> to vector<256x4096xf32>
    %eq3A_211 = arith.cmpf oeq, %eq3A_209, %eq3A_210 : vector<256x4096xf32>
    %lt3A_212 = vector.broadcast %add3A_205 : vector<256x1xi32> to vector<256x4096xi32>
    %lt3A_213 = vector.broadcast %iota3A : vector<1x4096xi32> to vector<256x4096xi32>
    %lt3A_214 = arith.cmpi slt, %lt3A_212, %lt3A_213 : vector<256x4096xi32>
    %and3A_215 = arith.andi %eq3A_211, %lt3A_214 : vector<256x4096xi1>
    %or3A_216 = arith.ori %gt3A_208, %and3A_215 : vector<256x4096xi1>
    %convert_element_type3A_217 = arith.extui %or3A_216 : vector<256x4096xi1> to vector<256x4096xi32>
    %reduce_sum3A_218 = arith.constant dense<0> : vector<4096xi32>
    %reduce_sum3A_219 = vector.multi_reduction <add>, %convert_element_type3A_217, %reduce_sum3A_218 [0] : vector<256x4096xi32> to vector<4096xi32>
    %broadcast_in_dim3A_220 = vector.shape_cast %reduce_sum3A_219 : vector<4096xi32> to vector<1x4096xi32>
    %add3A_221 = arith.addi %add3A_196, %broadcast_in_dim3A_220 : vector<1x4096xi32>
    %get3A_222 = arith.constant 0 : index
    %get3A_223 = arith.constant 2304 : index
    %get3A_224 = arith.constant 0 : index
    %get3A_225 = vector.load %arg2[%get3A_222, %get3A_223, %get3A_224] : memref<1x4096x1xf32, #tpu.memory_space<vmem>>, vector<1x256x1xf32>
    %get3A_226 = vector.shape_cast %get3A_225 : vector<1x256x1xf32> to vector<256x1xf32>
    %iota3A_227 = tpu.iota {dimensions = array<i32: 0>} : vector<256x1xi32>
    %add3A_228 = arith.constant 2304 : i32
    %add3A_229 = vector.broadcast %add3A_228 : i32 to vector<256x1xi32>
    %add3A_230 = arith.addi %iota3A_227, %add3A_229 : vector<256x1xi32>
    %gt3A_231 = vector.broadcast %get3A_226 : vector<256x1xf32> to vector<256x4096xf32>
    %gt3A_232 = vector.broadcast %get3A_3 : vector<1x4096xf32> to vector<256x4096xf32>
    %gt3A_233 = arith.cmpf ogt, %gt3A_231, %gt3A_232 : vector<256x4096xf32>
    %eq3A_234 = vector.broadcast %get3A_226 : vector<256x1xf32> to vector<256x4096xf32>
    %eq3A_235 = vector.broadcast %get3A_3 : vector<1x4096xf32> to vector<256x4096xf32>
    %eq3A_236 = arith.cmpf oeq, %eq3A_234, %eq3A_235 : vector<256x4096xf32>
    %lt3A_237 = vector.broadcast %add3A_230 : vector<256x1xi32> to vector<256x4096xi32>
    %lt3A_238 = vector.broadcast %iota3A : vector<1x4096xi32> to vector<256x4096xi32>
    %lt3A_239 = arith.cmpi slt, %lt3A_237, %lt3A_238 : vector<256x4096xi32>
    %and3A_240 = arith.andi %eq3A_236, %lt3A_239 : vector<256x4096xi1>
    %or3A_241 = arith.ori %gt3A_233, %and3A_240 : vector<256x4096xi1>
    %convert_element_type3A_242 = arith.extui %or3A_241 : vector<256x4096xi1> to vector<256x4096xi32>
    %reduce_sum3A_243 = arith.constant dense<0> : vector<4096xi32>
    %reduce_sum3A_244 = vector.multi_reduction <add>, %convert_element_type3A_242, %reduce_sum3A_243 [0] : vector<256x4096xi32> to vector<4096xi32>
    %broadcast_in_dim3A_245 = vector.shape_cast %reduce_sum3A_244 : vector<4096xi32> to vector<1x4096xi32>
    %add3A_246 = arith.addi %add3A_221, %broadcast_in_dim3A_245 : vector<1x4096xi32>
    %get3A_247 = arith.constant 0 : index
    %get3A_248 = arith.constant 2560 : index
    %get3A_249 = arith.constant 0 : index
    %get3A_250 = vector.load %arg2[%get3A_247, %get3A_248, %get3A_249] : memref<1x4096x1xf32, #tpu.memory_space<vmem>>, vector<1x256x1xf32>
    %get3A_251 = vector.shape_cast %get3A_250 : vector<1x256x1xf32> to vector<256x1xf32>
    %iota3A_252 = tpu.iota {dimensions = array<i32: 0>} : vector<256x1xi32>
    %add3A_253 = arith.constant 2560 : i32
    %add3A_254 = vector.broadcast %add3A_253 : i32 to vector<256x1xi32>
    %add3A_255 = arith.addi %iota3A_252, %add3A_254 : vector<256x1xi32>
    %gt3A_256 = vector.broadcast %get3A_251 : vector<256x1xf32> to vector<256x4096xf32>
    %gt3A_257 = vector.broadcast %get3A_3 : vector<1x4096xf32> to vector<256x4096xf32>
    %gt3A_258 = arith.cmpf ogt, %gt3A_256, %gt3A_257 : vector<256x4096xf32>
    %eq3A_259 = vector.broadcast %get3A_251 : vector<256x1xf32> to vector<256x4096xf32>
    %eq3A_260 = vector.broadcast %get3A_3 : vector<1x4096xf32> to vector<256x4096xf32>
    %eq3A_261 = arith.cmpf oeq, %eq3A_259, %eq3A_260 : vector<256x4096xf32>
    %lt3A_262 = vector.broadcast %add3A_255 : vector<256x1xi32> to vector<256x4096xi32>
    %lt3A_263 = vector.broadcast %iota3A : vector<1x4096xi32> to vector<256x4096xi32>
    %lt3A_264 = arith.cmpi slt, %lt3A_262, %lt3A_263 : vector<256x4096xi32>
    %and3A_265 = arith.andi %eq3A_261, %lt3A_264 : vector<256x4096xi1>
    %or3A_266 = arith.ori %gt3A_258, %and3A_265 : vector<256x4096xi1>
    %convert_element_type3A_267 = arith.extui %or3A_266 : vector<256x4096xi1> to vector<256x4096xi32>
    %reduce_sum3A_268 = arith.constant dense<0> : vector<4096xi32>
    %reduce_sum3A_269 = vector.multi_reduction <add>, %convert_element_type3A_267, %reduce_sum3A_268 [0] : vector<256x4096xi32> to vector<4096xi32>
    %broadcast_in_dim3A_270 = vector.shape_cast %reduce_sum3A_269 : vector<4096xi32> to vector<1x4096xi32>
    %add3A_271 = arith.addi %add3A_246, %broadcast_in_dim3A_270 : vector<1x4096xi32>
    %get3A_272 = arith.constant 0 : index
    %get3A_273 = arith.constant 2816 : index
    %get3A_274 = arith.constant 0 : index
    %get3A_275 = vector.load %arg2[%get3A_272, %get3A_273, %get3A_274] : memref<1x4096x1xf32, #tpu.memory_space<vmem>>, vector<1x256x1xf32>
    %get3A_276 = vector.shape_cast %get3A_275 : vector<1x256x1xf32> to vector<256x1xf32>
    %iota3A_277 = tpu.iota {dimensions = array<i32: 0>} : vector<256x1xi32>
    %add3A_278 = arith.constant 2816 : i32
    %add3A_279 = vector.broadcast %add3A_278 : i32 to vector<256x1xi32>
    %add3A_280 = arith.addi %iota3A_277, %add3A_279 : vector<256x1xi32>
    %gt3A_281 = vector.broadcast %get3A_276 : vector<256x1xf32> to vector<256x4096xf32>
    %gt3A_282 = vector.broadcast %get3A_3 : vector<1x4096xf32> to vector<256x4096xf32>
    %gt3A_283 = arith.cmpf ogt, %gt3A_281, %gt3A_282 : vector<256x4096xf32>
    %eq3A_284 = vector.broadcast %get3A_276 : vector<256x1xf32> to vector<256x4096xf32>
    %eq3A_285 = vector.broadcast %get3A_3 : vector<1x4096xf32> to vector<256x4096xf32>
    %eq3A_286 = arith.cmpf oeq, %eq3A_284, %eq3A_285 : vector<256x4096xf32>
    %lt3A_287 = vector.broadcast %add3A_280 : vector<256x1xi32> to vector<256x4096xi32>
    %lt3A_288 = vector.broadcast %iota3A : vector<1x4096xi32> to vector<256x4096xi32>
    %lt3A_289 = arith.cmpi slt, %lt3A_287, %lt3A_288 : vector<256x4096xi32>
    %and3A_290 = arith.andi %eq3A_286, %lt3A_289 : vector<256x4096xi1>
    %or3A_291 = arith.ori %gt3A_283, %and3A_290 : vector<256x4096xi1>
    %convert_element_type3A_292 = arith.extui %or3A_291 : vector<256x4096xi1> to vector<256x4096xi32>
    %reduce_sum3A_293 = arith.constant dense<0> : vector<4096xi32>
    %reduce_sum3A_294 = vector.multi_reduction <add>, %convert_element_type3A_292, %reduce_sum3A_293 [0] : vector<256x4096xi32> to vector<4096xi32>
    %broadcast_in_dim3A_295 = vector.shape_cast %reduce_sum3A_294 : vector<4096xi32> to vector<1x4096xi32>
    %add3A_296 = arith.addi %add3A_271, %broadcast_in_dim3A_295 : vector<1x4096xi32>
    %get3A_297 = arith.constant 0 : index
    %get3A_298 = arith.constant 3072 : index
    %get3A_299 = arith.constant 0 : index
    %get3A_300 = vector.load %arg2[%get3A_297, %get3A_298, %get3A_299] : memref<1x4096x1xf32, #tpu.memory_space<vmem>>, vector<1x256x1xf32>
    %get3A_301 = vector.shape_cast %get3A_300 : vector<1x256x1xf32> to vector<256x1xf32>
    %iota3A_302 = tpu.iota {dimensions = array<i32: 0>} : vector<256x1xi32>
    %add3A_303 = arith.constant 3072 : i32
    %add3A_304 = vector.broadcast %add3A_303 : i32 to vector<256x1xi32>
    %add3A_305 = arith.addi %iota3A_302, %add3A_304 : vector<256x1xi32>
    %gt3A_306 = vector.broadcast %get3A_301 : vector<256x1xf32> to vector<256x4096xf32>
    %gt3A_307 = vector.broadcast %get3A_3 : vector<1x4096xf32> to vector<256x4096xf32>
    %gt3A_308 = arith.cmpf ogt, %gt3A_306, %gt3A_307 : vector<256x4096xf32>
    %eq3A_309 = vector.broadcast %get3A_301 : vector<256x1xf32> to vector<256x4096xf32>
    %eq3A_310 = vector.broadcast %get3A_3 : vector<1x4096xf32> to vector<256x4096xf32>
    %eq3A_311 = arith.cmpf oeq, %eq3A_309, %eq3A_310 : vector<256x4096xf32>
    %lt3A_312 = vector.broadcast %add3A_305 : vector<256x1xi32> to vector<256x4096xi32>
    %lt3A_313 = vector.broadcast %iota3A : vector<1x4096xi32> to vector<256x4096xi32>
    %lt3A_314 = arith.cmpi slt, %lt3A_312, %lt3A_313 : vector<256x4096xi32>
    %and3A_315 = arith.andi %eq3A_311, %lt3A_314 : vector<256x4096xi1>
    %or3A_316 = arith.ori %gt3A_308, %and3A_315 : vector<256x4096xi1>
    %convert_element_type3A_317 = arith.extui %or3A_316 : vector<256x4096xi1> to vector<256x4096xi32>
    %reduce_sum3A_318 = arith.constant dense<0> : vector<4096xi32>
    %reduce_sum3A_319 = vector.multi_reduction <add>, %convert_element_type3A_317, %reduce_sum3A_318 [0] : vector<256x4096xi32> to vector<4096xi32>
    %broadcast_in_dim3A_320 = vector.shape_cast %reduce_sum3A_319 : vector<4096xi32> to vector<1x4096xi32>
    %add3A_321 = arith.addi %add3A_296, %broadcast_in_dim3A_320 : vector<1x4096xi32>
    %get3A_322 = arith.constant 0 : index
    %get3A_323 = arith.constant 3328 : index
    %get3A_324 = arith.constant 0 : index
    %get3A_325 = vector.load %arg2[%get3A_322, %get3A_323, %get3A_324] : memref<1x4096x1xf32, #tpu.memory_space<vmem>>, vector<1x256x1xf32>
    %get3A_326 = vector.shape_cast %get3A_325 : vector<1x256x1xf32> to vector<256x1xf32>
    %iota3A_327 = tpu.iota {dimensions = array<i32: 0>} : vector<256x1xi32>
    %add3A_328 = arith.constant 3328 : i32
    %add3A_329 = vector.broadcast %add3A_328 : i32 to vector<256x1xi32>
    %add3A_330 = arith.addi %iota3A_327, %add3A_329 : vector<256x1xi32>
    %gt3A_331 = vector.broadcast %get3A_326 : vector<256x1xf32> to vector<256x4096xf32>
    %gt3A_332 = vector.broadcast %get3A_3 : vector<1x4096xf32> to vector<256x4096xf32>
    %gt3A_333 = arith.cmpf ogt, %gt3A_331, %gt3A_332 : vector<256x4096xf32>
    %eq3A_334 = vector.broadcast %get3A_326 : vector<256x1xf32> to vector<256x4096xf32>
    %eq3A_335 = vector.broadcast %get3A_3 : vector<1x4096xf32> to vector<256x4096xf32>
    %eq3A_336 = arith.cmpf oeq, %eq3A_334, %eq3A_335 : vector<256x4096xf32>
    %lt3A_337 = vector.broadcast %add3A_330 : vector<256x1xi32> to vector<256x4096xi32>
    %lt3A_338 = vector.broadcast %iota3A : vector<1x4096xi32> to vector<256x4096xi32>
    %lt3A_339 = arith.cmpi slt, %lt3A_337, %lt3A_338 : vector<256x4096xi32>
    %and3A_340 = arith.andi %eq3A_336, %lt3A_339 : vector<256x4096xi1>
    %or3A_341 = arith.ori %gt3A_333, %and3A_340 : vector<256x4096xi1>
    %convert_element_type3A_342 = arith.extui %or3A_341 : vector<256x4096xi1> to vector<256x4096xi32>
    %reduce_sum3A_343 = arith.constant dense<0> : vector<4096xi32>
    %reduce_sum3A_344 = vector.multi_reduction <add>, %convert_element_type3A_342, %reduce_sum3A_343 [0] : vector<256x4096xi32> to vector<4096xi32>
    %broadcast_in_dim3A_345 = vector.shape_cast %reduce_sum3A_344 : vector<4096xi32> to vector<1x4096xi32>
    %add3A_346 = arith.addi %add3A_321, %broadcast_in_dim3A_345 : vector<1x4096xi32>
    %get3A_347 = arith.constant 0 : index
    %get3A_348 = arith.constant 3584 : index
    %get3A_349 = arith.constant 0 : index
    %get3A_350 = vector.load %arg2[%get3A_347, %get3A_348, %get3A_349] : memref<1x4096x1xf32, #tpu.memory_space<vmem>>, vector<1x256x1xf32>
    %get3A_351 = vector.shape_cast %get3A_350 : vector<1x256x1xf32> to vector<256x1xf32>
    %iota3A_352 = tpu.iota {dimensions = array<i32: 0>} : vector<256x1xi32>
    %add3A_353 = arith.constant 3584 : i32
    %add3A_354 = vector.broadcast %add3A_353 : i32 to vector<256x1xi32>
    %add3A_355 = arith.addi %iota3A_352, %add3A_354 : vector<256x1xi32>
    %gt3A_356 = vector.broadcast %get3A_351 : vector<256x1xf32> to vector<256x4096xf32>
    %gt3A_357 = vector.broadcast %get3A_3 : vector<1x4096xf32> to vector<256x4096xf32>
    %gt3A_358 = arith.cmpf ogt, %gt3A_356, %gt3A_357 : vector<256x4096xf32>
    %eq3A_359 = vector.broadcast %get3A_351 : vector<256x1xf32> to vector<256x4096xf32>
    %eq3A_360 = vector.broadcast %get3A_3 : vector<1x4096xf32> to vector<256x4096xf32>
    %eq3A_361 = arith.cmpf oeq, %eq3A_359, %eq3A_360 : vector<256x4096xf32>
    %lt3A_362 = vector.broadcast %add3A_355 : vector<256x1xi32> to vector<256x4096xi32>
    %lt3A_363 = vector.broadcast %iota3A : vector<1x4096xi32> to vector<256x4096xi32>
    %lt3A_364 = arith.cmpi slt, %lt3A_362, %lt3A_363 : vector<256x4096xi32>
    %and3A_365 = arith.andi %eq3A_361, %lt3A_364 : vector<256x4096xi1>
    %or3A_366 = arith.ori %gt3A_358, %and3A_365 : vector<256x4096xi1>
    %convert_element_type3A_367 = arith.extui %or3A_366 : vector<256x4096xi1> to vector<256x4096xi32>
    %reduce_sum3A_368 = arith.constant dense<0> : vector<4096xi32>
    %reduce_sum3A_369 = vector.multi_reduction <add>, %convert_element_type3A_367, %reduce_sum3A_368 [0] : vector<256x4096xi32> to vector<4096xi32>
    %broadcast_in_dim3A_370 = vector.shape_cast %reduce_sum3A_369 : vector<4096xi32> to vector<1x4096xi32>
    %add3A_371 = arith.addi %add3A_346, %broadcast_in_dim3A_370 : vector<1x4096xi32>
    %get3A_372 = arith.constant 0 : index
    %get3A_373 = arith.constant 3840 : index
    %get3A_374 = arith.constant 0 : index
    %get3A_375 = vector.load %arg2[%get3A_372, %get3A_373, %get3A_374] : memref<1x4096x1xf32, #tpu.memory_space<vmem>>, vector<1x256x1xf32>
    %get3A_376 = vector.shape_cast %get3A_375 : vector<1x256x1xf32> to vector<256x1xf32>
    %iota3A_377 = tpu.iota {dimensions = array<i32: 0>} : vector<256x1xi32>
    %add3A_378 = arith.constant 3840 : i32
    %add3A_379 = vector.broadcast %add3A_378 : i32 to vector<256x1xi32>
    %add3A_380 = arith.addi %iota3A_377, %add3A_379 : vector<256x1xi32>
    %gt3A_381 = vector.broadcast %get3A_376 : vector<256x1xf32> to vector<256x4096xf32>
    %gt3A_382 = vector.broadcast %get3A_3 : vector<1x4096xf32> to vector<256x4096xf32>
    %gt3A_383 = arith.cmpf ogt, %gt3A_381, %gt3A_382 : vector<256x4096xf32>
    %eq3A_384 = vector.broadcast %get3A_376 : vector<256x1xf32> to vector<256x4096xf32>
    %eq3A_385 = vector.broadcast %get3A_3 : vector<1x4096xf32> to vector<256x4096xf32>
    %eq3A_386 = arith.cmpf oeq, %eq3A_384, %eq3A_385 : vector<256x4096xf32>
    %lt3A_387 = vector.broadcast %add3A_380 : vector<256x1xi32> to vector<256x4096xi32>
    %lt3A_388 = vector.broadcast %iota3A : vector<1x4096xi32> to vector<256x4096xi32>
    %lt3A_389 = arith.cmpi slt, %lt3A_387, %lt3A_388 : vector<256x4096xi32>
    %and3A_390 = arith.andi %eq3A_386, %lt3A_389 : vector<256x4096xi1>
    %or3A_391 = arith.ori %gt3A_383, %and3A_390 : vector<256x4096xi1>
    %convert_element_type3A_392 = arith.extui %or3A_391 : vector<256x4096xi1> to vector<256x4096xi32>
    %reduce_sum3A_393 = arith.constant dense<0> : vector<4096xi32>
    %reduce_sum3A_394 = vector.multi_reduction <add>, %convert_element_type3A_392, %reduce_sum3A_393 [0] : vector<256x4096xi32> to vector<4096xi32>
    %broadcast_in_dim3A_395 = vector.shape_cast %reduce_sum3A_394 : vector<4096xi32> to vector<1x4096xi32>
    %add3A_396 = arith.addi %add3A_371, %broadcast_in_dim3A_395 : vector<1x4096xi32>
    %swap3A = arith.constant 0 : index
    %swap3A_397 = arith.constant 0 : index
    %swap3A_398 = arith.constant 0 : index
    %swap3A_399 = vector.load %arg3[%swap3A, %swap3A_397, %swap3A_398] : memref<1x1x4096xi32, #tpu.memory_space<vmem>>, vector<1x1x4096xi32>
    %swap3A_400 = vector.shape_cast %swap3A_399 : vector<1x1x4096xi32> to vector<1x4096xi32>
    %swap3A_401 = vector.shape_cast %add3A_396 : vector<1x4096xi32> to vector<1x1x4096xi32>
    tpu.vector_store %arg3[%swap3A, %swap3A_397, %swap3A_398], %swap3A_401 {strides = array<i32>} : memref<1x1x4096xi32, #tpu.memory_space<vmem>>, vector<1x1x4096xi32>,
    return
  }
  func.func @transform_0(%arg0: i32) -> (i32, i32, i32) {
    %c0_i32 = arith.constant 0 : i32
    %c0_i32_0 = arith.constant 0 : i32
    %c0_i32_1 = arith.constant 0 : i32
    return %arg0, %c0_i32, %c0_i32_0 : i32, i32, i32
  }
  func.func @transform_1(%arg0: i32) -> (i32, i32, i32) {
    %c0_i32 = arith.constant 0 : i32
    %c0_i32_0 = arith.constant 0 : i32
    %c0_i32_1 = arith.constant 0 : i32
    return %arg0, %c0_i32, %c0_i32_0 : i32, i32, i32
  }
  func.func @transform_2(%arg0: i32) -> (i32, i32, i32) {
    %c0_i32 = arith.constant 0 : i32
    %c0_i32_0 = arith.constant 0 : i32
    %c0_i32_1 = arith.constant 0 : i32
    return %arg0, %c0_i32, %c0_i32_0 : i32, i32, i32
  }
}

module attributes {stable_mosaic.version = 14 : i64} {
  func.func @_gate_adjust_kernel(%arg0: i32, %arg1: memref<1x2048x128xf32, #tpu.memory_space<vmem>>, %arg2: memref<99x49xf32, #tpu.memory_space<vmem>>, %arg3: memref<1x49xf32, #tpu.memory_space<vmem>>, %arg4: memref<49x24xf32, #tpu.memory_space<vmem>>, %arg5: memref<1x24xf32, #tpu.memory_space<vmem>>, %arg6: memref<24x3xf32, #tpu.memory_space<vmem>>, %arg7: memref<1x3xf32, #tpu.memory_space<vmem>>, %arg8: memref<1x2048x3xf32, #tpu.memory_space<vmem>>) attributes {dimension_semantics = [#tpu.dimension_semantics<arbitrary>], iteration_bounds = array<i64: 2>, scalar_prefetch = 0 : i64, scratch_operands = 0 : i64, tpu.core_type = #tpu.core_type<tc>, window_params = [{transform_indices = @transform_0, window_bounds = array<i64: 1, 2048, 128>}, {pipeline_mode = #tpu.pipeline_mode<synchronous>, transform_indices = @transform_1, window_bounds = array<i64: 99, 49>}, {pipeline_mode = #tpu.pipeline_mode<synchronous>, transform_indices = @transform_2, window_bounds = array<i64: 1, 49>}, {pipeline_mode = #tpu.pipeline_mode<synchronous>, transform_indices = @transform_3, window_bounds = array<i64: 49, 24>}, {pipeline_mode = #tpu.pipeline_mode<synchronous>, transform_indices = @transform_4, window_bounds = array<i64: 1, 24>}, {pipeline_mode = #tpu.pipeline_mode<synchronous>, transform_indices = @transform_5, window_bounds = array<i64: 24, 3>}, {pipeline_mode = #tpu.pipeline_mode<synchronous>, transform_indices = @transform_6, window_bounds = array<i64: 1, 3>}, {transform_indices = @transform_7, window_bounds = array<i64: 1, 2048, 3>}]} {
    %get3A = arith.constant 0 : index
    %get3A_0 = arith.constant 0 : index
    %get3A_1 = arith.constant 0 : index
    %get3A_2 = vector.load %arg1[%get3A, %get3A_0, %get3A_1] : memref<1x2048x128xf32, #tpu.memory_space<vmem>>, vector<1x2048x128xf32>
    %get3A_3 = vector.shape_cast %get3A_2 : vector<1x2048x128xf32> to vector<2048x128xf32>
    %slice3A = vector.extract_strided_slice %get3A_3 {offsets = [0, 0], sizes = [2048, 99], strides = [1, 1]} : vector<2048x128xf32> to vector<2048x99xf32>
    %slice3A_4 = vector.extract_strided_slice %get3A_3 {offsets = [0, 99], sizes = [2048, 1], strides = [1, 1]} : vector<2048x128xf32> to vector<2048x1xf32>
    %slice3A_5 = vector.extract_strided_slice %get3A_3 {offsets = [0, 100], sizes = [2048, 3], strides = [1, 1]} : vector<2048x128xf32> to vector<2048x3xf32>
    %logistic3A = arith.negf %slice3A_4 : vector<2048x1xf32>
    %logistic3A_6 = math.exp %logistic3A : vector<2048x1xf32>
    %logistic3A_7 = arith.constant 1.000000e+00 : f32
    %logistic3A_8 = vector.broadcast %logistic3A_7 : f32 to vector<2048x1xf32>
    %logistic3A_9 = arith.addf %logistic3A_8, %logistic3A_6 : vector<2048x1xf32>
    %logistic3A_10 = arith.divf %logistic3A_8, %logistic3A_9 : vector<2048x1xf32>
    %mul3A = vector.broadcast %logistic3A_10 : vector<2048x1xf32> to vector<2048x99xf32>
    %mul3A_11 = arith.mulf %slice3A, %mul3A : vector<2048x99xf32>
    %get3A_12 = arith.constant 0 : index
    %get3A_13 = arith.constant 0 : index
    %get3A_14 = vector.load %arg2[%get3A_12, %get3A_13] : memref<99x49xf32, #tpu.memory_space<vmem>>, vector<99x49xf32>
    %dot_general3A = arith.constant dense<0.000000e+00> : vector<2048x49xf32>
    %dot_general3A_15 = tpu.matmul %mul3A_11, %get3A_14, %dot_general3A {dimension_numbers = #tpu.dot_dimension_numbers<[1], [0], [0], [1], [0, 0, 1, 1], [], []>, transpose_lhs_hint = false} : vector<2048x99xf32>, vector<99x49xf32>, vector<2048x49xf32> -> vector<2048x49xf32>
    %get3A_16 = arith.constant 0 : index
    %get3A_17 = arith.constant 0 : index
    %get3A_18 = vector.load %arg3[%get3A_16, %get3A_17] : memref<1x49xf32, #tpu.memory_space<vmem>>, vector<1x49xf32>
    %add3A = vector.broadcast %get3A_18 : vector<1x49xf32> to vector<2048x49xf32>
    %add3A_19 = arith.addf %dot_general3A_15, %add3A : vector<2048x49xf32>
    %max3A = arith.constant 0.000000e+00 : f32
    %max3A_20 = vector.broadcast %max3A : f32 to vector<2048x49xf32>
    %max3A_21 = arith.maximumf %add3A_19, %max3A_20 : vector<2048x49xf32>
    %get3A_22 = arith.constant 0 : index
    %get3A_23 = arith.constant 0 : index
    %get3A_24 = vector.load %arg4[%get3A_22, %get3A_23] : memref<49x24xf32, #tpu.memory_space<vmem>>, vector<49x24xf32>
    %dot_general3A_25 = arith.constant dense<0.000000e+00> : vector<2048x24xf32>
    %dot_general3A_26 = tpu.matmul %max3A_21, %get3A_24, %dot_general3A_25 {dimension_numbers = #tpu.dot_dimension_numbers<[1], [0], [0], [1], [0, 0, 1, 1], [], []>, transpose_lhs_hint = false} : vector<2048x49xf32>, vector<49x24xf32>, vector<2048x24xf32> -> vector<2048x24xf32>
    %get3A_27 = arith.constant 0 : index
    %get3A_28 = arith.constant 0 : index
    %get3A_29 = vector.load %arg5[%get3A_27, %get3A_28] : memref<1x24xf32, #tpu.memory_space<vmem>>, vector<1x24xf32>
    %add3A_30 = vector.broadcast %get3A_29 : vector<1x24xf32> to vector<2048x24xf32>
    %add3A_31 = arith.addf %dot_general3A_26, %add3A_30 : vector<2048x24xf32>
    %max3A_32 = arith.constant 0.000000e+00 : f32
    %max3A_33 = vector.broadcast %max3A_32 : f32 to vector<2048x24xf32>
    %max3A_34 = arith.maximumf %add3A_31, %max3A_33 : vector<2048x24xf32>
    %get3A_35 = arith.constant 0 : index
    %get3A_36 = arith.constant 0 : index
    %get3A_37 = vector.load %arg6[%get3A_35, %get3A_36] : memref<24x3xf32, #tpu.memory_space<vmem>>, vector<24x3xf32>
    %dot_general3A_38 = arith.constant dense<0.000000e+00> : vector<2048x3xf32>
    %dot_general3A_39 = tpu.matmul %max3A_34, %get3A_37, %dot_general3A_38 {dimension_numbers = #tpu.dot_dimension_numbers<[1], [0], [0], [1], [0, 0, 1, 1], [], []>, transpose_lhs_hint = false} : vector<2048x24xf32>, vector<24x3xf32>, vector<2048x3xf32> -> vector<2048x3xf32>
    %get3A_40 = arith.constant 0 : index
    %get3A_41 = arith.constant 0 : index
    %get3A_42 = vector.load %arg7[%get3A_40, %get3A_41] : memref<1x3xf32, #tpu.memory_space<vmem>>, vector<1x3xf32>
    %add3A_43 = vector.broadcast %get3A_42 : vector<1x3xf32> to vector<2048x3xf32>
    %add3A_44 = arith.addf %dot_general3A_39, %add3A_43 : vector<2048x3xf32>
    %add3A_45 = arith.addf %slice3A_5, %add3A_44 : vector<2048x3xf32>
    %swap3A = arith.constant 0 : index
    %swap3A_46 = arith.constant 0 : index
    %swap3A_47 = arith.constant 0 : index
    %swap3A_48 = vector.load %arg8[%swap3A, %swap3A_46, %swap3A_47] : memref<1x2048x3xf32, #tpu.memory_space<vmem>>, vector<1x2048x3xf32>
    %swap3A_49 = vector.shape_cast %swap3A_48 : vector<1x2048x3xf32> to vector<2048x3xf32>
    %swap3A_50 = vector.shape_cast %add3A_45 : vector<2048x3xf32> to vector<1x2048x3xf32>
    tpu.vector_store %arg8[%swap3A, %swap3A_46, %swap3A_47], %swap3A_50 {strides = array<i32>} : memref<1x2048x3xf32, #tpu.memory_space<vmem>>, vector<1x2048x3xf32>,
    return
  }
  func.func @transform_0(%arg0: i32) -> (i32, i32, i32) {
    %c0_i32 = arith.constant 0 : i32
    %c0_i32_0 = arith.constant 0 : i32
    %c0_i32_1 = arith.constant 0 : i32
    return %arg0, %c0_i32, %c0_i32_0 : i32, i32, i32
  }
  func.func @transform_1(%arg0: i32) -> (i32, i32) {
    %c0_i32 = arith.constant 0 : i32
    %c0_i32_0 = arith.constant 0 : i32
    %c0_i32_1 = arith.constant 0 : i32
    return %c0_i32, %c0_i32_0 : i32, i32
  }
  func.func @transform_2(%arg0: i32) -> (i32, i32) {
    %c0_i32 = arith.constant 0 : i32
    %c0_i32_0 = arith.constant 0 : i32
    %c0_i32_1 = arith.constant 0 : i32
    return %c0_i32, %c0_i32_0 : i32, i32
  }
  func.func @transform_3(%arg0: i32) -> (i32, i32) {
    %c0_i32 = arith.constant 0 : i32
    %c0_i32_0 = arith.constant 0 : i32
    %c0_i32_1 = arith.constant 0 : i32
    return %c0_i32, %c0_i32_0 : i32, i32
  }
  func.func @transform_4(%arg0: i32) -> (i32, i32) {
    %c0_i32 = arith.constant 0 : i32
    %c0_i32_0 = arith.constant 0 : i32
    %c0_i32_1 = arith.constant 0 : i32
    return %c0_i32, %c0_i32_0 : i32, i32
  }
  func.func @transform_5(%arg0: i32) -> (i32, i32) {
    %c0_i32 = arith.constant 0 : i32
    %c0_i32_0 = arith.constant 0 : i32
    %c0_i32_1 = arith.constant 0 : i32
    return %c0_i32, %c0_i32_0 : i32, i32
  }
  func.func @transform_6(%arg0: i32) -> (i32, i32) {
    %c0_i32 = arith.constant 0 : i32
    %c0_i32_0 = arith.constant 0 : i32
    %c0_i32_1 = arith.constant 0 : i32
    return %c0_i32, %c0_i32_0 : i32, i32
  }
  func.func @transform_7(%arg0: i32) -> (i32, i32, i32) {
    %c0_i32 = arith.constant 0 : i32
    %c0_i32_0 = arith.constant 0 : i32
    %c0_i32_1 = arith.constant 0 : i32
    return %arg0, %c0_i32, %c0_i32_0 : i32, i32, i32
  }
}

</mosaic_0001>

<sc_bundles>
// kernel: kernel.12.cloned.1.call-start
scs
__scs_entry_jumppad:
0x0: {  	(pc) =	sbr.rel $0x88, $3  }
0x1: {  	(tag) =	ssettag $0x0;
	lr =	simm.s32 $0x1  }
0x2: {  	[smem:$0x3F92] =	sst lr;
	_ =	strace $0xD0000000  }
0x3: {  	_ = 	snop  }
0x4: {  	_ = 	snop  }
0x5: {  	_ = 	snop  }
0x6: {  	_ = 	snop  }
0x7: {  	_ = 	snop  }
__scs_overlays_trampoline_lowered:
0x8: {  	[smem:$0x3FA1] =	sst s0  }
0x9: {  	[smem:$0x3FA2] =	sst s1  }
0xa: {  	[smem:$0x3FA3] =	sst s2  }
0xb: {  	[smem:$0x3FA4] =	sst s3  }
0xc: {  	[smem:$0x3FA5] =	sst s4  }
0xd: {  	[smem:$0x3FA6] =	sst s5  }
0xe: {  	[smem:$0x3FA7] =	sst s6  }
0xf: {  	[smem:$0x3FA8] =	sst s7  }
0x10: {  	[smem:$0x3FA9] =	sst s8  }
0x11: {  	[smem:$0x3FAA] =	sst s9;
	s0 =	simm.s32 @!p0 $0x0  }
0x12: {  	s1 =	sld [smem:$0x3F90];
	s0 =	simm.s32 @p0 $0x1  }
0x13: {  	[smem:$0x3FAB] =	sst s0;
	s0 =	simm.s32 @!p1 $0x0  }
0x14: {  	s2 =	sld [smem:$0x3F8F];
	s0 =	simm.s32 @p1 $0x1  }
0x15: {  	[smem:$0x3FAC] =	sst s0;
	s0 =	simm.s32 @!p2 $0x0  }
0x16: {  	s3 =	sld [smem:$0x3FDB];
	s0 =	simm.s32 @p2 $0x1  }
0x17: {  	s4 =	simm.s32 $0x1BF5;
	[smem:$0x3FAE] =	sst s0  }
0x18: {  	s0 =	sld [smem:$0x3F91];
	_ =	swait.ge [sflag:s4], $0x0  }
0x19: {  	s7 =	sld [smem:$0x3F92]  }
0x1a: {  	s8 =	sadd.s32 $0xFFFFE003, lr  }
0x1b: {  	s9 =	sadd.s32 $0xFFFFFEF7, lr;
	s5 =	simm.s32 $0xFFFFFFFF;
	p2 =	slt.u32 s8, $0xFFFFF086  }
0x1c: {  	p1 =	slt.u32 s9, $0xF7A;
	s5 =	simm.s32 @!p2 $0x0  }
0x1d: {  	s5 =	simm.s32 @p1 $0x1;
	p0 =	seq.s32 s7, s2  }
0x1e: {  	s7 =	smul.u32 @!p0 $0xF7A, s2;
	p2 =	seq.s32 @!p0 s5, $0x0  }
0x1f: {  	s9 =	smul.u32 $0xF7A, s1;
	s8 =	simm.s32 @!p0 $0x1BF5;
	p2 =	por !p2, p0  }
0x20: {  	[sflag:s8] =	ssyncset.s32 @!p0 $0xFFFFF086;
	s6 =	sadd.s32 @!p0 s3, s7;
	s7 =	simm.s32 @!p0 $0x108  }
0x21: {  	s3 =	sadd.s32 s3, s9;
	s6 =	sadd.s32 @!p0 $0x88, s6;
	s7 =	simm.s32 @p2 $0x1082  }
0x22: {  	[simem:s7], [sflag:s8] =	dma.local @!p0 [hbm:s6], $0xF7A  }
0x23: {  	s9 =	sor.u32 $0xD0000000, s2;
	s6 =	simm.s32 $0x108;
	_ =	swait.ge @!p0 [sflag:s8], $0x0  }
0x24: {  	s3 =	sadd.s32 $0x88, s3;
	s6 =	simm.s32 @!p1 $0x1082;
	[sflag:s4] =	ssyncset.s32 $0xFFFFF086  }
0x25: {  	[simem:s6], [sflag:s4] =	dma.local [hbm:s3], $0xF7A  }
0x26: {  	[smem:$0x3F92] =	sst s1;
	(tag) =	ssettag s2;
	_ =	strace s9  }
0x27: {  	s1 =	sld [smem:$0x3FA2]  }
0x28: {  	s2 =	sld [smem:$0x3FA3]  }
0x29: {  	s4 =	sld [smem:$0x3FA5]  }
0x2a: {  	p0 =	seq.s32 s5, $0x0;
	s5 =	sld [smem:$0x3FA6]  }
0x2b: {  	s6 =	sld [smem:$0x3FA7]  }
0x2c: {  	s7 =	sld [smem:$0x3FA8]  }
0x2d: {  	s3 =	simm.s32 $0x108;
	s8 =	sld [smem:$0x3FA9]  }
0x2e: {  	s3 =	simm.s32 @!p0 $0x1082;
	s9 =	sld [smem:$0x3FAA]  }
0x2f: {  	lr =	sadd.s32 s0, s3;
	s0 =	sld [smem:$0x3FA1]  }
0x30: {  	s3 =	sld [smem:$0x3FA4]  }
0x31: {  	[smem:$0x3FAD] =	sst s10  }
0x32: {  	s10 =	sld [smem:$0x3FAB];
	_ =	sdelay $0x3  }
0x33: {  	p0 =	seq.s32 s10, $0x1;
	s10 =	sld [smem:$0x3FAD];
	_ =	sdelay $0x3  }
0x34: {  	[smem:$0x3FAD] =	sst s10  }
0x35: {  	s10 =	sld [smem:$0x3FAC];
	_ =	sdelay $0x3  }
0x36: {  	p1 =	seq.s32 s10, $0x1;
	s10 =	sld [smem:$0x3FAD];
	_ =	sdelay $0x3  }
0x37: {  	[smem:$0x3FAD] =	sst s10  }
0x38: {  	s10 =	sld [smem:$0x3FAE]  }
0x39: {  	_ = 	snop;
	(pc) =	sbr.ind lr, $3  }
0x3a: {  	_ = 	snop  }
0x3b: {  	_ = 	snop  }
0x3c: {  	p2 =	seq.s32 s10, $0x1;
	s10 =	sld [smem:$0x3FAD]  }
0x3d: {  	_ =	shalt  }
0x3e: {  	_ =	shalt  }
0x3f: {  	_ =	shalt  }
0x40: {  	_ =	shalt  }
0x41: {  	_ =	shalt  }
0x42: {  	_ =	shalt  }
0x43: {  	_ =	shalt  }
0x44: {  	_ =	shalt  }
0x45: {  	_ =	shalt  }
0x46: {  	_ =	shalt  }
0x47: {  	_ =	shalt  }
0x48: {  	_ =	shalt  }
0x49: {  	_ =	shalt  }
0x4a: {  	_ =	shalt  }
0x4b: {  	_ =	shalt  }
0x4c: {  	_ =	shalt  }
0x4d: {  	_ =	shalt  }
0x4e: {  	_ =	shalt  }
0x4f: {  	_ =	shalt  }
0x50: {  	_ =	shalt  }
0x51: {  	_ =	shalt  }
0x52: {  	_ =	shalt  }
0x53: {  	_ =	shalt  }
0x54: {  	_ =	shalt  }
0x55: {  	_ =	shalt  }
0x56: {  	_ =	shalt  }
0x57: {  	_ =	shalt  }
0x58: {  	_ =	shalt  }
0x59: {  	_ =	shalt  }
0x5a: {  	_ =	shalt  }
0x5b: {  	_ =	shalt  }
0x5c: {  	_ =	shalt  }
0x5d: {  	_ =	shalt  }
0x5e: {  	_ =	shalt  }
0x5f: {  	_ =	shalt  }
0x60: {  	_ =	shalt  }
0x61: {  	_ =	shalt  }
0x62: {  	_ =	shalt  }
0x63: {  	_ =	shalt  }
0x64: {  	_ =	shalt  }
0x65: {  	_ =	shalt  }
0x66: {  	_ =	shalt  }
0x67: {  	_ =	shalt  }
0x68: {  	_ =	shalt  }
0x69: {  	_ =	shalt  }
0x6a: {  	_ =	shalt  }
0x6b: {  	_ =	shalt  }
0x6c: {  	_ =	shalt  }
0x6d: {  	_ =	shalt  }
0x6e: {  	_ =	shalt  }
0x6f: {  	_ =	shalt  }
0x70: {  	_ =	shalt  }
0x71: {  	_ =	shalt  }
0x72: {  	_ =	shalt  }
0x73: {  	_ =	shalt  }
0x74: {  	_ =	shalt  }
0x75: {  	_ =	shalt  }
0x76: {  	_ =	shalt  }
0x77: {  	_ =	shalt  }
0x78: {  	_ =	shalt  }
0x79: {  	_ =	shalt  }
0x7a: {  	_ =	shalt  }
0x7b: {  	_ =	shalt  }
0x7c: {  	_ =	shalt  }
0x7d: {  	_ =	shalt  }
0x7e: {  	_ =	shalt  }
0x7f: {  	_ =	shalt  }
0x80: {  	_ =	shalt  }
0x81: {  	_ =	shalt  }
0x82: {  	_ =	shalt  }
0x83: {  	_ =	shalt  }
0x84: {  	_ =	shalt  }
0x85: {  	_ =	shalt  }
0x86: {  	_ =	shalt  }
0x87: {  	_ =	shalt  }
.Lfunc_end0:
.L_simem_size_0:
called_computation.1_lowered:
.L_overlay_start_0:
0x88: {  	s2 =	sld [smem:$0x3FD9]  }
0x89: {  	s3 =	sld [smem:$0x3FFE];
	_ =	sdelay $0x1  }
0x8a: {  	s1 =	srdreg.scid  }
0x8b: {  	s0 =	sand.u32 $0x1, s1  }
0x8c: {  	s17 =	sshll.u32 s0, $0xA;
	s2 =	sadd.s32 s3, s2  }
0x8d: {  	s2 =	sadd.s32 s2, s17  }
0x8e: {  	[smem:$0x3FB9] =	sst s2  }
0x8f: {  	_ = 	snop  }
0x90: {  	s2 =	sld [smem:$0x3FD0];
	(tm) =	ssettm $0x1  }
0x91: {  	s18 =	sld [smem:$0x3FFB];
	_ =	sdelay $0x3  }
0x92: {  	_ =	strace s18  }
0x93: {  	s3 =	sld [smem:$0x3FFC];
	_ =	sdelay $0x3  }
0x94: {  	_ =	strace s3  }
0x95: {  	s3 =	sld [smem:$0x3FFD];
	_ =	sdelay $0x3  }
0x96: {  	_ =	strace s3  }
0x97: {  	_ =	strace $0x8FFFFFFF  }
0x98: {  	s19 =	sld [smem:$0x3FDB];
	_ =	sdelay $0x1  }
0x99: {  	s4 =	simm.s32 $_scs_section_size  }
0x9a: {  	s5 =	simm.s32 $_size__tile_overlayer_lowered;
	s6 =	simm.s32 $_tile_overlayer_lowered  }
0x9b: {  	s22 =	simm.s32 $0x1BFF;
	s21 =	sshll.u32 s6, $0x1;
	s3 =	sadd.s32 s4, s19  }
0x9c: {  	s7 =	simm.s32 $0x0;
	s20 =	sshll.u32 s5, $0x1;
	s5 =	sadd.s32 s21, s3  }
0x9d: {  	[timem:s7], [sflag:s22] =	dma.local [hbm:s5], s20  }
0x9e: {  	_ =	swait.ge [sflag:s22], s20  }
0x9f: {  	s4 =	ssub.s32 $0x0, s20;
	[sflag:s22] =	ssyncset.done $0x0  }
0xa0: {  	[sflag:s22] =	ssyncadd.s32 s4;
	_ =	sdelay $0x1  }
0xa1: {  	s23 =	simm.s32 $0x1B8B  }
0xa2: {  	_ =	swait.ge [sflag:s23], $0x1  }
0xa3: {  	[sflag:s23] =	ssyncset.done $0x0  }
0xa4: {  	s25 =	simm.s32 $0x1B8E;
	s24 =	sld [smem:$0x3FFE];
	[sflag:s23] =	ssyncadd.s32 $0xFFFFFFFF  }
0xa5: {  	s26 =	simm.s32 $execute0_lowered;
	[smem:$0x3FD2] =	sst s25  }
0xa6: {  	s5 =	sshll.u32 s26, $0x1;
	_ =	strace $0x80000049;
	[dreg:$0x1] =	wrdreg $0xFFFFFFFF  }
0xa7: {  	s28 =	simm.s32 $_size_execute0_lowered;
	s3 =	sadd.s32 s3, s5;
	[dreg:$0x0] =	wrdreg $0x0  }
0xa8: {  	s5 =	sshll.u32 s28, $0x1;
	[dreg:$0x2] =	wrdreg s3  }
0xa9: {  	[dreg:$0x3] =	wrdreg s5  }
0xaa: {  	[dreg:$0x4] =	wrdreg $0xC0  }
0xab: {  	_ =	task [dreg:s7], $0x5FFFF  }
0xac: {  	[dreg:$0x1] =	wrdreg $0xFFFFFFFF  }
0xad: {  	[dreg:$0x0] =	wrdreg $0x60  }
0xae: {  	[dreg:$0x2] =	wrdreg s2  }
0xaf: {  	[dreg:$0x3] =	wrdreg s24  }
0xb0: {  	[dreg:$0x4] =	wrdreg $0x9  }
0xb1: {  	_ =	task.clear_ibuf [dreg:s7], $0x5FFFF;
	_ =	strace $0x90000049  }
0xb2: {  	s29 =	simm.s32 $0x9;
	_ =	strace $0x8000004B  }
0xb3: {  	_ =	swait.ge [sflag:s29], $0x1  }
0xb4: {  	[sflag:s29] =	ssyncadd.s32 $0xFFFFFFFF  }
0xb5: {  	_ =	strace $0x9000004B  }
0xb6: {  	_ =	sfence  }
0xb7: {  	s30 =	sld [smem:$0x0];
	_ =	sdelay $0x2  }
0xb8: {  	s31 =	sshll.u32 s1, $0xD;
	s1 =	sshrl.u32 s1, $0x2  }
0xb9: {  	s3 =	sand.u32 $0x4000, s31;
	s1 =	sadd.s32 s1, s30  }
0xba: {  	s0 =	sor.u32 s3, s0;
	s1 =	sshll.u32 s1, $0x11  }
0xbb: {  	s0 =	sor.u32 s1, s0  }
0xbc: {  	s0 =	sadd.s32 $0x8F2B, s0  }
0xbd: {  	[sflag:s0] =	ssyncadd.remote.s32 $0x1  }
0xbe: {  	_ =	sfence.sel $0xFFFF  }
0xbf: {  	[dreg:$0x0] =	wrdreg $0xFFFFFFFF;
	(pc) =	sbr.abs _section_cstart, $3  }
0xc0: {  	[dreg:$0x1] =	wrdreg $0xFFFFFFFF  }
0xc1: {  	_ =	task.clear_ibuf [dreg:s7], $0x2FFFF;
	_ =	strace $0x9FFFFFFF  }
0xc2: {  	(tm) =	ssettm $0x7FFFFFFF  }
0xc3: {  	_ =	shalt  }
tec
execute0_lowered:
.L_overlay_start_1:
0x0: {  	(tag) =	ssettag $0x1  }
0x1: {  	s1 =	srdreg.scid  }
0x2: {  	s0 =	stileid.u32;
	s6 =	sand.u32 $0x1, s1  }
0x3: {  	s8 =	rddreg [dreg:$0x0];
	s7 =	sshll.u32 s0, $0x9;
	s3 =	sshll.u32 s6, $0x8  }
0x4: {  	s5 =	rddreg [dreg:$0x1];
	s2 =	simm.s32 $0x0;
	s9 =	sor.u32 s3, s7  }
0x5: {  	s4 =	simm.s32 $0x2;
	[smem:$0x7FF] =	sst s2;
	s3 =	sshrl.u32 s9, $0x3  }
0x6: {  	s1 =	rddreg [dreg:$0x2];
	_ =	strace $0x8000004A;
	s3 =	sadd.s32 s8, s3  }
0x7: {  	[tilespmem:s2], [sflag:$0x2] =	stream.linear.gather [hbm4b:s3+s2], $0x80, $0x38;
	[tilespmem:$0x100] =	vst v63  }
0x8: {  	_ =	swait.ge [sflag:s4], $0x80  }
0x9: {  	v13 =	vlaneseq.u32;
	[sflag:s4] =	ssyncset.done $0x0  }
0xa: {  	v1 =	vor.u32 s9, v13;
	s10 =	sor.u32 $0x10, s9;
	[sflag:s4] =	ssyncadd.s32 $0xFFFFFF80  }
0xb: {  	s21 =	sor.u32 $0x20, s9;
	v2 =	vor.u32 s10, v13;
	[tilespmem:$0x80] =	vst v1;
	v7 =	vld [tilespmem:$0x70]  }
0xc: {  	s22 =	sor.u32 $0x30, s9;
	v3 =	vor.u32 s21, v13;
	[tilespmem:$0x90] =	vst v2;
	v8 =	vld [tilespmem:$0x30]  }
0xd: {  	s23 =	sor.u32 $0x40, s9;
	v4 =	vor.u32 s22, v13;
	[tilespmem:$0xA0] =	vst v3;
	v9 =	vld [tilespmem:$0x10]  }
0xe: {  	s7 =	sand.u32 $0x1000, s7;
	s24 =	sor.u32 $0x50, s9;
	v5 =	vor.u32 s23, v13;
	[tilespmem:$0xB0] =	vst v4;
	v10 =	vld [tilespmem:$0x0]  }
0xf: {  	v0 =	vmov s7;
	v6 =	vor.u32 s24, v13;
	[tilespmem:$0xC0] =	vst v5  }
0x10: {  	[tilespmem:$0xD0] =	vst v6;
	v7 =	vadd.s32 v0, v7  }
0x11: {  	v11 =	vld [tilespmem:$0x40];
	v8 =	vadd.s32 v0, v8;
	[tilespmem:$0x70] =	vst v7  }
0x12: {  	v14 =	vld [tilespmem:$0x20];
	v9 =	vadd.s32 v0, v9;
	[tilespmem:$0x30] =	vst v8  }
0x13: {  	s25 =	sor.u32 $0x60, s9;
	v12 =	vld [tilespmem:$0x60];
	v10 =	vadd.s32 v0, v10;
	[tilespmem:$0x10] =	vst v9  }
0x14: {  	s26 =	sor.u32 $0x70, s9;
	v15 =	vld [tilespmem:$0x50];
	v7 =	vor.u32 s25, v13;
	[tilespmem:$0x0] =	vst v10  }
0x15: {  	v8 =	vor.u32 s26, v13;
	[tilespmem:$0xE0] =	vst v7  }
0x16: {  	v9 =	vadd.s32 v0, v11;
	[tilespmem:$0xF0] =	vst v8  }
0x17: {  	v10 =	vadd.s32 v0, v14;
	[tilespmem:$0x40] =	vst v9  }
0x18: {  	v9 =	vadd.s32 v0, v12;
	[tilespmem:$0x20] =	vst v10  }
0x19: {  	s5 =	sadd.s32 $0x22C00, s5;
	s28 =	ssub.s32 $0x2, s6;
	[tilespmem:$0x60] =	vst v9;
	v9 =	vadd.s32 v0, v15  }
0x1a: {  	s6 =	simm.s32 $0x1;
	s11 =	sshrl.u32 s28, $0x1;
	s7 =	simm.s32 $0x80;
	[tilespmem:$0x50] =	vst v9  }
0x1b: {  	[hbm4b:s5+s7] =	stream.indirect.scatter [tilespmem:s7], [sflag:$0x1], $0x1, s2, s7, $0xb8;
	[tilespmem:$0x100] =	vst v63  }
0x1c: {  	s12 =	sor.u32 $0x80, s9;
	s10 =	ssub.s32 s28, s11;
	_ =	swait.ge [sflag:s6], $0x80  }
0x1d: {  	s29 =	sshrl.u32 s12, $0x3;
	s10 =	smax.u32 s10, $0x1;
	[sflag:s6] =	ssyncset.done $0x0  }
0x1e: {  	s8 =	sadd.s32 s8, s29;
	p0 =	sne.s32 s10, $0x1;
	[sflag:s6] =	ssyncadd.s32 $0xFFFFFF80  }
0x1f: {  	[tilespmem:s2], [sflag:$0x2] =	stream.linear.gather [hbm4b:s8+s2], $0x80, $0x38;
	[tilespmem:$0x100] =	vst v63  }
.Ltmp0:
0x20: {  	s30 =	sor.u32 $0x90, s9;
	(pc) =	sbr.rel @!p0 .LBB2_2-.Ltmp0, $4  }
0x21: {  	s14 =	sor.u32 $0xB0, s9;
	s15 =	sor.u32 $0xC0, s9;
	_ =	swait.ge [sflag:s4], $0x80  }
0x22: {  	s16 =	sor.u32 $0xD0, s9;
	s31 =	sor.u32 $0xE0, s9;
	v16 =	vor.u32 s15, v13;
	v14 =	vor.u32 s14, v13;
	[sflag:s4] =	ssyncset.done $0x0  }
0x23: {  	s13 =	sor.u32 $0xA0, s9;
	s9 =	sor.u32 $0xF0, s9;
	v11 =	vor.u32 s31, v13;
	v10 =	vor.u32 s30, v13;
	v15 =	vor.u32 s16, v13;
	[sflag:s4] =	ssyncadd.s32 $0xFFFFFF80  }
0x24: {  	v12 =	vor.u32 s13, v13;
	v9 =	vor.u32 s12, v13;
	v13 =	vor.u32 s9, v13;
	s9 =	sadd.s32 $0xFFFFFFFF, s10;
	[tilespmem:$0xD0] =	vst v15;
	v17 =	vld [tilespmem:$0x70]  }
.LBB2_1:
0x25: {  	p0 =	sne.s32 s9, $0x1;
	s9 =	sadd.s32 $0xFFFFFFFF, s9;
	[tilespmem:$0xC0] =	vst v16;
	v18 =	vld [tilespmem:$0x40]  }
0x26: {  	[tilespmem:$0xB0] =	vst v14;
	v19 =	vld [tilespmem:$0x30]  }
0x27: {  	v20 =	vld [tilespmem:$0x0];
	[tilespmem:$0xA0] =	vst v12  }
0x28: {  	[tilespmem:$0x90] =	vst v10;
	v21 =	vld [tilespmem:$0x10]  }
0x29: {  	[tilespmem:$0x80] =	vst v9;
	v22 =	vld [tilespmem:$0x20];
	v17 =	vadd.s32 v0, v17  }
0x2a: {  	v18 =	vadd.s32 v0, v18;
	v23 =	vld [tilespmem:$0x60];
	[tilespmem:$0xF0] =	vst v13  }
0x2b: {  	[tilespmem:$0x40] =	vst v18;
	v18 =	vld [tilespmem:$0x50]  }
0x2c: {  	v19 =	vadd.s32 v0, v19;
	v20 =	vadd.s32 v0, v20;
	[tilespmem:$0xE0] =	vst v11  }
0x2d: {  	v21 =	vadd.s32 v0, v21;
	[tilespmem:$0x30] =	vst v19  }
0x2e: {  	[tilespmem:$0x10] =	vst v21;
	v19 =	vadd.s32 v0, v22  }
0x2f: {  	[tilespmem:$0x20] =	vst v19;
	v19 =	vadd.s32 v0, v23  }
0x30: {  	[tilespmem:$0x0] =	vst v20;
	v18 =	vadd.s32 v0, v18  }
0x31: {  	[tilespmem:$0x50] =	vst v18  }
0x32: {  	[tilespmem:$0x70] =	vst v17  }
0x33: {  	[tilespmem:$0x60] =	vst v19  }
0x34: {  	[hbm4b:s5+s7] =	stream.indirect.scatter [tilespmem:s7], [sflag:$0x1], $0x1, s2, s7, $0xb8;
	[tilespmem:$0x100] =	vst v63  }
0x35: {  	_ =	swait.ge [sflag:s6], $0x80  }
0x36: {  	[sflag:s6] =	ssyncset.done $0x0  }
0x37: {  	[sflag:s6] =	ssyncadd.s32 $0xFFFFFF80  }
0x38: {  	[tilespmem:s2], [sflag:$0x2] =	stream.linear.gather [hbm4b:s3+s2], $0x80, $0x38;
	[tilespmem:$0x100] =	vst v63  }
0x39: {  	_ =	swait.ge [sflag:s4], $0x80  }
0x3a: {  	[sflag:s4] =	ssyncset.done $0x0  }
0x3b: {  	[sflag:s4] =	ssyncadd.s32 $0xFFFFFF80  }
0x3c: {  	[tilespmem:$0x80] =	vst v1;
	v17 =	vld [tilespmem:$0x70]  }
0x3d: {  	[tilespmem:$0x90] =	vst v2;
	v18 =	vld [tilespmem:$0x30]  }
0x3e: {  	[tilespmem:$0xA0] =	vst v3;
	v19 =	vld [tilespmem:$0x50]  }
0x3f: {  	v20 =	vld [tilespmem:$0x20];
	[tilespmem:$0xB0] =	vst v4  }
0x40: {  	v21 =	vld [tilespmem:$0x10];
	[tilespmem:$0xC0] =	vst v5  }
0x41: {  	v22 =	vld [tilespmem:$0x0];
	[tilespmem:$0xD0] =	vst v6;
	v17 =	vadd.s32 v0, v17  }
0x42: {  	v18 =	vadd.s32 v0, v18;
	v23 =	vld [tilespmem:$0x40];
	[tilespmem:$0x70] =	vst v17  }
0x43: {  	[tilespmem:$0x30] =	vst v18;
	v17 =	vld [tilespmem:$0x60]  }
0x44: {  	[tilespmem:$0xE0] =	vst v7  }
0x45: {  	v18 =	vadd.s32 v0, v21;
	[tilespmem:$0xF0] =	vst v8  }
0x46: {  	v21 =	vadd.s32 v0, v22;
	[tilespmem:$0x10] =	vst v18;
	v18 =	vadd.s32 v0, v20  }
0x47: {  	v19 =	vadd.s32 v0, v19;
	[tilespmem:$0x0] =	vst v21;
	v20 =	vadd.s32 v0, v23  }
0x48: {  	[tilespmem:$0x40] =	vst v20;
	v17 =	vadd.s32 v0, v17  }
0x49: {  	[tilespmem:$0x60] =	vst v17  }
0x4a: {  	[tilespmem:$0x20] =	vst v18  }
0x4b: {  	[tilespmem:$0x50] =	vst v19  }
0x4c: {  	[hbm4b:s5+s7] =	stream.indirect.scatter [tilespmem:s7], [sflag:$0x1], $0x1, s2, s7, $0xb8;
	[tilespmem:$0x100] =	vst v63  }
0x4d: {  	_ =	swait.ge [sflag:s6], $0x80  }
0x4e: {  	[sflag:s6] =	ssyncset.done $0x0  }
0x4f: {  	[sflag:s6] =	ssyncadd.s32 $0xFFFFFF80  }
0x50: {  	[tilespmem:s2], [sflag:$0x2] =	stream.linear.gather [hbm4b:s8+s2], $0x80, $0x38;
	[tilespmem:$0x100] =	vst v63  }
.Ltmp1:
0x51: {  	_ = 	snop;
	(pc) =	sbr.rel @p0 .LBB2_1-.Ltmp1, $4  }
0x52: {  	_ =	swait.ge [sflag:s4], $0x80  }
0x53: {  	[sflag:s4] =	ssyncset.done $0x0  }
0x54: {  	[sflag:s4] =	ssyncadd.s32 $0xFFFFFF80  }
0x55: {  	[tilespmem:$0xD0] =	vst v15;
	v17 =	vld [tilespmem:$0x70]  }
.LBB2_2:
0x56: {  	[tilespmem:$0xC0] =	vst v16  }
0x57: {  	[tilespmem:$0xB0] =	vst v14  }
0x58: {  	v1 =	vld [tilespmem:$0x40];
	[tilespmem:$0xA0] =	vst v12  }
0x59: {  	v2 =	vld [tilespmem:$0x30];
	[tilespmem:$0x90] =	vst v10  }
0x5a: {  	v3 =	vld [tilespmem:$0x10];
	[tilespmem:$0x80] =	vst v9  }
0x5b: {  	v4 =	vld [tilespmem:$0x20];
	[tilespmem:$0xF0] =	vst v13  }
0x5c: {  	v5 =	vld [tilespmem:$0x0];
	[tilespmem:$0xE0] =	vst v11;
	v62 =	vadd.s32 v0, v17  }
0x5d: {  	v6 =	vld [tilespmem:$0x60];
	v1 =	vadd.s32 v0, v1;
	[tilespmem:$0x70] =	vst v62  }
0x5e: {  	v59 =	vld [tilespmem:$0x50];
	v2 =	vadd.s32 v0, v2;
	[tilespmem:$0x40] =	vst v1  }
0x5f: {  	v3 =	vadd.s32 v0, v3;
	[tilespmem:$0x30] =	vst v2  }
0x60: {  	v60 =	vadd.s32 v0, v4;
	[tilespmem:$0x10] =	vst v3  }
0x61: {  	v61 =	vadd.s32 v0, v5;
	[tilespmem:$0x20] =	vst v60  }
0x62: {  	v63 =	vadd.s32 v0, v6;
	[tilespmem:$0x0] =	vst v61  }
0x63: {  	v1 =	vadd.s32 v0, v59;
	[tilespmem:$0x60] =	vst v63  }
0x64: {  	[tilespmem:$0x50] =	vst v1  }
0x65: {  	[hbm4b:s5+s7] =	stream.indirect.scatter [tilespmem:s7], [sflag:$0x1], $0x1, s2, s7, $0xb8;
	[tilespmem:$0x100] =	vst v63  }
0x66: {  	_ =	swait.ge [sflag:s6], $0x80  }
0x67: {  	[sflag:s6] =	ssyncset.done $0x0  }
0x68: {  	[sflag:s6] =	ssyncadd.s32 $0xFFFFFF80  }
0x69: {  	_ =	sfence.sel $0x180000  }
0x6a: {  	[bflag:$0x0] =	sbarrier.arrive $0xFFFF  }
0x6b: {  	p0 =	sne.s32 s0, $0x0;
	_ =	strace $0x9000004A  }
0x6c: {  	s0 =	sadd.s32 @!p0 $0x100000, s1;
	[bflag:$0x2] =	sbarrier.arrive $0xFFFF  }
0x6d: {  	[sflag:s0] =	ssyncadd.tile.s32 @!p0 $0x1;
	_ =	shalt  }
.Lfunc_end2:
_tile_overlayer_lowered:
.L_overlay_start_2:
0x6e: {  	(tag) =	ssettag $0x2  }
0x6f: {  	s0 =	rddreg [dreg:$0x0];
	s2 =	stileid.u32  }
0x70: {  	s1 =	rddreg [dreg:$0x1];
	p0 =	sne.s32 s2, $0x0  }
0x71: {  	s3 =	rddreg [dreg:$0x2];
	[bflag:$0x3] =	sbarrier.arrive $0xFFFF;
	s2 =	simm.s32 @!p0 $0x1C02  }
0x72: {  	[timem:s3], [sflag:s2] =	dma.local @!p0 [hbm:s0], s1  }
0x73: {  	s0 =	simm.s32 @!p0 $0x2  }
0x74: {  	_ =	swait.ge @!p0 [sflag:s0], s1  }
0x75: {  	s1 =	ssub.s32 @!p0 $0x0, s1;
	[sflag:s0] =	ssyncset.done @!p0 $0x0  }
0x76: {  	[sflag:s0] =	ssyncadd.s32 @!p0 s1  }
0x77: {  	[bflag:$0x3] =	sbarrier.arrive $0xFFFF  }
0x78: {  	_ =	shalt  }

// kernel: kernel.15.cloned.1.call-start
scs
__scs_entry_jumppad:
0x0: {  	(pc) =	sbr.rel $0x88, $3  }
0x1: {  	(tag) =	ssettag $0x0;
	lr =	simm.s32 $0x1  }
0x2: {  	[smem:$0x3F92] =	sst lr;
	_ =	strace $0xD0000000  }
0x3: {  	_ = 	snop  }
0x4: {  	_ = 	snop  }
0x5: {  	_ = 	snop  }
0x6: {  	_ = 	snop  }
0x7: {  	_ = 	snop  }
__scs_overlays_trampoline_lowered:
0x8: {  	[smem:$0x3FA1] =	sst s0  }
0x9: {  	[smem:$0x3FA2] =	sst s1  }
0xa: {  	[smem:$0x3FA3] =	sst s2  }
0xb: {  	[smem:$0x3FA4] =	sst s3  }
0xc: {  	[smem:$0x3FA5] =	sst s4  }
0xd: {  	[smem:$0x3FA6] =	sst s5  }
0xe: {  	[smem:$0x3FA7] =	sst s6  }
0xf: {  	[smem:$0x3FA8] =	sst s7  }
0x10: {  	[smem:$0x3FA9] =	sst s8  }
0x11: {  	[smem:$0x3FAA] =	sst s9;
	s0 =	simm.s32 @!p0 $0x0  }
0x12: {  	s1 =	sld [smem:$0x3F90];
	s0 =	simm.s32 @p0 $0x1  }
0x13: {  	[smem:$0x3FAB] =	sst s0;
	s0 =	simm.s32 @!p1 $0x0  }
0x14: {  	s2 =	sld [smem:$0x3F8F];
	s0 =	simm.s32 @p1 $0x1  }
0x15: {  	[smem:$0x3FAC] =	sst s0;
	s0 =	simm.s32 @!p2 $0x0  }
0x16: {  	s3 =	sld [smem:$0x3FDB];
	s0 =	simm.s32 @p2 $0x1  }
0x17: {  	s4 =	simm.s32 $0x1BF5;
	[smem:$0x3FAE] =	sst s0  }
0x18: {  	s0 =	sld [smem:$0x3F91];
	_ =	swait.ge [sflag:s4], $0x0  }
0x19: {  	s7 =	sld [smem:$0x3F92]  }
0x1a: {  	s8 =	sadd.s32 $0xFFFFE003, lr  }
0x1b: {  	s9 =	sadd.s32 $0xFFFFFEF7, lr;
	s5 =	simm.s32 $0xFFFFFFFF;
	p2 =	slt.u32 s8, $0xFFFFF086  }
0x1c: {  	p1 =	slt.u32 s9, $0xF7A;
	s5 =	simm.s32 @!p2 $0x0  }
0x1d: {  	s5 =	simm.s32 @p1 $0x1;
	p0 =	seq.s32 s7, s2  }
0x1e: {  	s7 =	smul.u32 @!p0 $0xF7A, s2;
	p2 =	seq.s32 @!p0 s5, $0x0  }
0x1f: {  	s9 =	smul.u32 $0xF7A, s1;
	s8 =	simm.s32 @!p0 $0x1BF5;
	p2 =	por !p2, p0  }
0x20: {  	[sflag:s8] =	ssyncset.s32 @!p0 $0xFFFFF086;
	s6 =	sadd.s32 @!p0 s3, s7;
	s7 =	simm.s32 @!p0 $0x108  }
0x21: {  	s3 =	sadd.s32 s3, s9;
	s6 =	sadd.s32 @!p0 $0x88, s6;
	s7 =	simm.s32 @p2 $0x1082  }
0x22: {  	[simem:s7], [sflag:s8] =	dma.local @!p0 [hbm:s6], $0xF7A  }
0x23: {  	s9 =	sor.u32 $0xD0000000, s2;
	s6 =	simm.s32 $0x108;
	_ =	swait.ge @!p0 [sflag:s8], $0x0  }
0x24: {  	s3 =	sadd.s32 $0x88, s3;
	s6 =	simm.s32 @!p1 $0x1082;
	[sflag:s4] =	ssyncset.s32 $0xFFFFF086  }
0x25: {  	[simem:s6], [sflag:s4] =	dma.local [hbm:s3], $0xF7A  }
0x26: {  	[smem:$0x3F92] =	sst s1;
	(tag) =	ssettag s2;
	_ =	strace s9  }
0x27: {  	s1 =	sld [smem:$0x3FA2]  }
0x28: {  	s2 =	sld [smem:$0x3FA3]  }
0x29: {  	s4 =	sld [smem:$0x3FA5]  }
0x2a: {  	p0 =	seq.s32 s5, $0x0;
	s5 =	sld [smem:$0x3FA6]  }
0x2b: {  	s6 =	sld [smem:$0x3FA7]  }
0x2c: {  	s7 =	sld [smem:$0x3FA8]  }
0x2d: {  	s3 =	simm.s32 $0x108;
	s8 =	sld [smem:$0x3FA9]  }
0x2e: {  	s3 =	simm.s32 @!p0 $0x1082;
	s9 =	sld [smem:$0x3FAA]  }
0x2f: {  	lr =	sadd.s32 s0, s3;
	s0 =	sld [smem:$0x3FA1]  }
0x30: {  	s3 =	sld [smem:$0x3FA4]  }
0x31: {  	[smem:$0x3FAD] =	sst s10  }
0x32: {  	s10 =	sld [smem:$0x3FAB];
	_ =	sdelay $0x3  }
0x33: {  	p0 =	seq.s32 s10, $0x1;
	s10 =	sld [smem:$0x3FAD];
	_ =	sdelay $0x3  }
0x34: {  	[smem:$0x3FAD] =	sst s10  }
0x35: {  	s10 =	sld [smem:$0x3FAC];
	_ =	sdelay $0x3  }
0x36: {  	p1 =	seq.s32 s10, $0x1;
	s10 =	sld [smem:$0x3FAD];
	_ =	sdelay $0x3  }
0x37: {  	[smem:$0x3FAD] =	sst s10  }
0x38: {  	s10 =	sld [smem:$0x3FAE]  }
0x39: {  	_ = 	snop;
	(pc) =	sbr.ind lr, $3  }
0x3a: {  	_ = 	snop  }
0x3b: {  	_ = 	snop  }
0x3c: {  	p2 =	seq.s32 s10, $0x1;
	s10 =	sld [smem:$0x3FAD]  }
0x3d: {  	_ =	shalt  }
0x3e: {  	_ =	shalt  }
0x3f: {  	_ =	shalt  }
0x40: {  	_ =	shalt  }
0x41: {  	_ =	shalt  }
0x42: {  	_ =	shalt  }
0x43: {  	_ =	shalt  }
0x44: {  	_ =	shalt  }
0x45: {  	_ =	shalt  }
0x46: {  	_ =	shalt  }
0x47: {  	_ =	shalt  }
0x48: {  	_ =	shalt  }
0x49: {  	_ =	shalt  }
0x4a: {  	_ =	shalt  }
0x4b: {  	_ =	shalt  }
0x4c: {  	_ =	shalt  }
0x4d: {  	_ =	shalt  }
0x4e: {  	_ =	shalt  }
0x4f: {  	_ =	shalt  }
0x50: {  	_ =	shalt  }
0x51: {  	_ =	shalt  }
0x52: {  	_ =	shalt  }
0x53: {  	_ =	shalt  }
0x54: {  	_ =	shalt  }
0x55: {  	_ =	shalt  }
0x56: {  	_ =	shalt  }
0x57: {  	_ =	shalt  }
0x58: {  	_ =	shalt  }
0x59: {  	_ =	shalt  }
0x5a: {  	_ =	shalt  }
0x5b: {  	_ =	shalt  }
0x5c: {  	_ =	shalt  }
0x5d: {  	_ =	shalt  }
0x5e: {  	_ =	shalt  }
0x5f: {  	_ =	shalt  }
0x60: {  	_ =	shalt  }
0x61: {  	_ =	shalt  }
0x62: {  	_ =	shalt  }
0x63: {  	_ =	shalt  }
0x64: {  	_ =	shalt  }
0x65: {  	_ =	shalt  }
0x66: {  	_ =	shalt  }
0x67: {  	_ =	shalt  }
0x68: {  	_ =	shalt  }
0x69: {  	_ =	shalt  }
0x6a: {  	_ =	shalt  }
0x6b: {  	_ =	shalt  }
0x6c: {  	_ =	shalt  }
0x6d: {  	_ =	shalt  }
0x6e: {  	_ =	shalt  }
0x6f: {  	_ =	shalt  }
0x70: {  	_ =	shalt  }
0x71: {  	_ =	shalt  }
0x72: {  	_ =	shalt  }
0x73: {  	_ =	shalt  }
0x74: {  	_ =	shalt  }
0x75: {  	_ =	shalt  }
0x76: {  	_ =	shalt  }
0x77: {  	_ =	shalt  }
0x78: {  	_ =	shalt  }
0x79: {  	_ =	shalt  }
0x7a: {  	_ =	shalt  }
0x7b: {  	_ =	shalt  }
0x7c: {  	_ =	shalt  }
0x7d: {  	_ =	shalt  }
0x7e: {  	_ =	shalt  }
0x7f: {  	_ =	shalt  }
0x80: {  	_ =	shalt  }
0x81: {  	_ =	shalt  }
0x82: {  	_ =	shalt  }
0x83: {  	_ =	shalt  }
0x84: {  	_ =	shalt  }
0x85: {  	_ =	shalt  }
0x86: {  	_ =	shalt  }
0x87: {  	_ =	shalt  }
.Lfunc_end0:
.L_simem_size_0:
called_computation.2_lowered:
.L_overlay_start_0:
0x88: {  	s2 =	sld [smem:$0x3FD9]  }
0x89: {  	s3 =	sld [smem:$0x3FFE];
	_ =	sdelay $0x1  }
0x8a: {  	s1 =	srdreg.scid  }
0x8b: {  	s0 =	sand.u32 $0x1, s1  }
0x8c: {  	s16 =	sshll.u32 s0, $0xA;
	s2 =	sadd.s32 s3, s2  }
0x8d: {  	s2 =	sadd.s32 s2, s16  }
0x8e: {  	[smem:$0x3FB9] =	sst s2  }
0x8f: {  	_ = 	snop  }
0x90: {  	(tm) =	ssettm $0x1  }
0x91: {  	s17 =	sld [smem:$0x3FFB];
	_ =	sdelay $0x3  }
0x92: {  	_ =	strace s17  }
0x93: {  	s2 =	sld [smem:$0x3FFC];
	_ =	sdelay $0x3  }
0x94: {  	_ =	strace s2  }
0x95: {  	s2 =	sld [smem:$0x3FFD];
	_ =	sdelay $0x3  }
0x96: {  	_ =	strace s2  }
0x97: {  	_ =	strace $0x8FFFFFFF  }
0x98: {  	s18 =	sld [smem:$0x3FDB];
	_ =	sdelay $0x1  }
0x99: {  	s19 =	simm.s32 $_scs_section_size  }
0x9a: {  	s4 =	simm.s32 $_size__tile_overlayer_lowered;
	s5 =	simm.s32 $_tile_overlayer_lowered  }
0x9b: {  	s22 =	simm.s32 $0x1BFF;
	s21 =	sshll.u32 s5, $0x1;
	s2 =	sadd.s32 s19, s18  }
0x9c: {  	s6 =	simm.s32 $0x0;
	s20 =	sshll.u32 s4, $0x1;
	s4 =	sadd.s32 s21, s2  }
0x9d: {  	[timem:s6], [sflag:s22] =	dma.local [hbm:s4], s20  }
0x9e: {  	_ =	swait.ge [sflag:s22], s20  }
0x9f: {  	s3 =	ssub.s32 $0x0, s20;
	[sflag:s22] =	ssyncset.done $0x0  }
0xa0: {  	[sflag:s22] =	ssyncadd.s32 s3;
	_ =	sdelay $0x1  }
0xa1: {  	s23 =	simm.s32 $0x1B8B  }
0xa2: {  	_ =	swait.ge [sflag:s23], $0x1  }
0xa3: {  	[sflag:s23] =	ssyncset.done $0x0  }
0xa4: {  	s25 =	simm.s32 $0x1B8E;
	s24 =	sld [smem:$0x3FFE];
	[sflag:s23] =	ssyncadd.s32 $0xFFFFFFFF  }
0xa5: {  	s26 =	simm.s32 $execute0_lowered;
	[smem:$0x3FD2] =	sst s25  }
0xa6: {  	s4 =	sshll.u32 s26, $0x1;
	_ =	strace $0x8000004C;
	[dreg:$0x1] =	wrdreg $0xFFFFFFFF  }
0xa7: {  	s28 =	simm.s32 $_size_execute0_lowered;
	s2 =	sadd.s32 s2, s4;
	[dreg:$0x0] =	wrdreg $0x0  }
0xa8: {  	s4 =	sshll.u32 s28, $0x1;
	[dreg:$0x2] =	wrdreg s2  }
0xa9: {  	[dreg:$0x3] =	wrdreg s4  }
0xaa: {  	[dreg:$0x4] =	wrdreg $0xC0  }
0xab: {  	_ =	task [dreg:s6], $0x5FFFF  }
0xac: {  	[dreg:$0x1] =	wrdreg $0xFFFFFFFF  }
0xad: {  	[dreg:$0x0] =	wrdreg $0x60  }
0xae: {  	[dreg:$0x2] =	wrdreg s24  }
0xaf: {  	[dreg:$0x3] =	wrdreg $0x9  }
0xb0: {  	_ =	task.clear_ibuf [dreg:s6], $0x4FFFF;
	_ =	strace $0x9000004C  }
0xb1: {  	s29 =	simm.s32 $0x9;
	_ =	strace $0x8000004E  }
0xb2: {  	_ =	swait.ge [sflag:s29], $0x1  }
0xb3: {  	[sflag:s29] =	ssyncadd.s32 $0xFFFFFFFF  }
0xb4: {  	_ =	strace $0x9000004E  }
0xb5: {  	_ =	sfence  }
0xb6: {  	s30 =	sld [smem:$0x0];
	_ =	sdelay $0x2  }
0xb7: {  	s31 =	sshll.u32 s1, $0xD;
	s1 =	sshrl.u32 s1, $0x2  }
0xb8: {  	s3 =	sand.u32 $0x4000, s31;
	s1 =	sadd.s32 s1, s30  }
0xb9: {  	s0 =	sor.u32 s3, s0;
	s1 =	sshll.u32 s1, $0x11  }
0xba: {  	s0 =	sor.u32 s1, s0  }
0xbb: {  	s0 =	sadd.s32 $0x8F2B, s0  }
0xbc: {  	[sflag:s0] =	ssyncadd.remote.s32 $0x1  }
0xbd: {  	_ =	sfence.sel $0xFFFF  }
0xbe: {  	[dreg:$0x0] =	wrdreg $0xFFFFFFFF;
	(pc) =	sbr.abs _section_cstart, $3  }
0xbf: {  	[dreg:$0x1] =	wrdreg $0xFFFFFFFF  }
0xc0: {  	_ =	task.clear_ibuf [dreg:s6], $0x2FFFF;
	_ =	strace $0x9FFFFFFF  }
0xc1: {  	(tm) =	ssettm $0x7FFFFFFF  }
tec
execute0_lowered:
.L_overlay_start_1:
0x0: {  	(tag) =	ssettag $0x1  }
0x1: {  	s1 =	srdreg.scid  }
0x2: {  	s0 =	stileid.u32;
	s6 =	sand.u32 $0x1, s1  }
0x3: {  	s29 =	sshll.u32 s0, $0x8;
	s2 =	sshll.u32 s6, $0x7  }
0x4: {  	s30 =	sshll.u32 s0, $0x9;
	s8 =	sor.u32 s2, s29  }
0x5: {  	s9 =	rddreg [dreg:$0x0];
	s1 =	sand.u32 $0x1000, s30;
	s2 =	sand.u32 $0x780, s8  }
0x6: {  	s7 =	simm.s32 $0x1;
	s5 =	sadd.s32 $0x2C00, s9;
	s3 =	sor.u32 s1, s2  }
0x7: {  	s1 =	rddreg [dreg:$0x1];
	s2 =	simm.s32 $0x0;
	s3 =	sshrl.u32 s3, $0x3  }
0x8: {  	s10 =	ssub.s32 $0x2, s6;
	[smem:$0x7FF] =	sst s2;
	s3 =	sadd.s32 s3, s9  }
0x9: {  	_ =	strace $0x8000004D;
	s4 =	sadd.s32 $0x22C00, s3;
	s3 =	simm.s32 $0x2  }
0xa: {  	[tilespmem:s2], [sflag:$0x2] =	stream.linear.gather [hbm4b:s4+s2], $0x80, $0x38;
	[tilespmem:$0x4080] =	vst v63  }
0xb: {  	s6 =	simm.s32 $0x80;
	s11 =	sshrl.u32 s10, $0x1;
	_ =	swait.ge [sflag:s3], $0x80  }
0xc: {  	s8 =	sshll.u32 s8, $0x4;
	s31 =	ssub.s32 s10, s11;
	[sflag:s3] =	ssyncset.done $0x0  }
0xd: {  	s8 =	sadd.s32 s8, s9;
	s9 =	smax.u32 s31, $0x1;
	[sflag:s3] =	ssyncadd.s32 $0xFFFFFF80  }
0xe: {  	[tilespmem:s6], [sflag:$0x1] =	stream.indirect.gather [hbm4b:s5+s6], $0x80, s2, s6, $0xb8;
	[tilespmem:$0x4080] =	vst v63  }
0xf: {  	p0 =	sne.s32 s9, $0x1;
	_ =	swait.ge [sflag:s7], $0x4000  }
.Ltmp0:
0x10: {  	[sflag:s7] =	ssyncset.done $0x0;
	(pc) =	sbr.rel @!p0 .LBB2_2-.Ltmp0, $4  }
0x11: {  	s8 =	sadd.s32 $0x23000, s8;
	[sflag:s7] =	ssyncadd.s32 $0xFFFFC000  }
0x12: {  	[hbm4b:s8+s2] =	stream.linear.scatter [tilespmem:s6], [sflag:$0x2], $0x4000, $0x38;
	[tilespmem:$0x4080] =	vst v63  }
0x13: {  	_ =	swait.ge [sflag:s3], $0x4000  }
0x14: {  	s9 =	sadd.s32 $0xFFFFFFFF, s9;
	[sflag:s3] =	ssyncset.done $0x0  }
.LBB2_1:
0x15: {  	p0 =	sne.s32 s9, $0x1;
	s9 =	sadd.s32 $0xFFFFFFFF, s9;
	[sflag:s3] =	ssyncadd.s32 $0xFFFFC000  }
0x16: {  	[tilespmem:s2], [sflag:$0x2] =	stream.linear.gather [hbm4b:s4+s2], $0x80, $0x38;
	[tilespmem:$0x4080] =	vst v63  }
0x17: {  	_ =	swait.ge [sflag:s3], $0x80  }
0x18: {  	[sflag:s3] =	ssyncset.done $0x0  }
0x19: {  	[sflag:s3] =	ssyncadd.s32 $0xFFFFFF80  }
0x1a: {  	[tilespmem:s6], [sflag:$0x1] =	stream.indirect.gather [hbm4b:s5+s6], $0x80, s2, s6, $0xb8;
	[tilespmem:$0x4080] =	vst v63  }
0x1b: {  	_ =	swait.ge [sflag:s7], $0x4000  }
.Ltmp1:
0x1c: {  	[sflag:s7] =	ssyncset.done $0x0;
	(pc) =	sbr.rel @p0 .LBB2_1-.Ltmp1, $4  }
0x1d: {  	[sflag:s7] =	ssyncadd.s32 $0xFFFFC000  }
0x1e: {  	[hbm4b:s8+s2] =	stream.linear.scatter [tilespmem:s6], [sflag:$0x2], $0x4000, $0x38;
	[tilespmem:$0x4080] =	vst v63  }
0x1f: {  	_ =	swait.ge [sflag:s3], $0x4000  }
0x20: {  	[sflag:s3] =	ssyncset.done $0x0  }
.LBB2_2:
0x21: {  	[sflag:s3] =	ssyncadd.s32 $0xFFFFC000  }
0x22: {  	_ =	sfence.sel $0x180000  }
0x23: {  	[bflag:$0x0] =	sbarrier.arrive $0xFFFF  }
0x24: {  	p0 =	sne.s32 s0, $0x0;
	_ =	strace $0x9000004D  }
0x25: {  	s0 =	sadd.s32 @!p0 $0x100000, s1;
	[bflag:$0x2] =	sbarrier.arrive $0xFFFF  }
0x26: {  	[sflag:s0] =	ssyncadd.tile.s32 @!p0 $0x1;
	_ =	shalt  }
.Lfunc_end2:
_tile_overlayer_lowered:
.L_overlay_start_2:
0x27: {  	(tag) =	ssettag $0x2  }
0x28: {  	s0 =	rddreg [dreg:$0x0];
	s2 =	stileid.u32  }
0x29: {  	s1 =	rddreg [dreg:$0x1];
	p0 =	sne.s32 s2, $0x0  }
0x2a: {  	s3 =	rddreg [dreg:$0x2];
	[bflag:$0x3] =	sbarrier.arrive $0xFFFF;
	s2 =	simm.s32 @!p0 $0x1C02  }
0x2b: {  	[timem:s3], [sflag:s2] =	dma.local @!p0 [hbm:s0], s1  }
0x2c: {  	s0 =	simm.s32 @!p0 $0x2  }
0x2d: {  	_ =	swait.ge @!p0 [sflag:s0], s1  }
0x2e: {  	s1 =	ssub.s32 @!p0 $0x0, s1;
	[sflag:s0] =	ssyncset.done @!p0 $0x0  }
0x2f: {  	[sflag:s0] =	ssyncadd.s32 @!p0 s1  }
0x30: {  	[bflag:$0x3] =	sbarrier.arrive $0xFFFF  }
0x31: {  	_ =	shalt  }

// kernel: kernel.9.cloned.1.call-start
scs
__scs_entry_jumppad:
0x0: {  	(pc) =	sbr.rel $0x88, $3  }
0x1: {  	(tag) =	ssettag $0x0;
	lr =	simm.s32 $0x1  }
0x2: {  	[smem:$0x3F92] =	sst lr;
	_ =	strace $0xD0000000  }
0x3: {  	_ = 	snop  }
0x4: {  	_ = 	snop  }
0x5: {  	_ = 	snop  }
0x6: {  	_ = 	snop  }
0x7: {  	_ = 	snop  }
__scs_overlays_trampoline_lowered:
0x8: {  	[smem:$0x3FA1] =	sst s0  }
0x9: {  	[smem:$0x3FA2] =	sst s1  }
0xa: {  	[smem:$0x3FA3] =	sst s2  }
0xb: {  	[smem:$0x3FA4] =	sst s3  }
0xc: {  	[smem:$0x3FA5] =	sst s4  }
0xd: {  	[smem:$0x3FA6] =	sst s5  }
0xe: {  	[smem:$0x3FA7] =	sst s6  }
0xf: {  	[smem:$0x3FA8] =	sst s7  }
0x10: {  	[smem:$0x3FA9] =	sst s8  }
0x11: {  	[smem:$0x3FAA] =	sst s9;
	s0 =	simm.s32 @!p0 $0x0  }
0x12: {  	s1 =	sld [smem:$0x3F90];
	s0 =	simm.s32 @p0 $0x1  }
0x13: {  	[smem:$0x3FAB] =	sst s0;
	s0 =	simm.s32 @!p1 $0x0  }
0x14: {  	s2 =	sld [smem:$0x3F8F];
	s0 =	simm.s32 @p1 $0x1  }
0x15: {  	[smem:$0x3FAC] =	sst s0;
	s0 =	simm.s32 @!p2 $0x0  }
0x16: {  	s3 =	sld [smem:$0x3FDB];
	s0 =	simm.s32 @p2 $0x1  }
0x17: {  	s4 =	simm.s32 $0x1BF5;
	[smem:$0x3FAE] =	sst s0  }
0x18: {  	s0 =	sld [smem:$0x3F91];
	_ =	swait.ge [sflag:s4], $0x0  }
0x19: {  	s7 =	sld [smem:$0x3F92]  }
0x1a: {  	s8 =	sadd.s32 $0xFFFFE003, lr  }
0x1b: {  	s9 =	sadd.s32 $0xFFFFFEF7, lr;
	s5 =	simm.s32 $0xFFFFFFFF;
	p2 =	slt.u32 s8, $0xFFFFF086  }
0x1c: {  	p1 =	slt.u32 s9, $0xF7A;
	s5 =	simm.s32 @!p2 $0x0  }
0x1d: {  	s5 =	simm.s32 @p1 $0x1;
	p0 =	seq.s32 s7, s2  }
0x1e: {  	s7 =	smul.u32 @!p0 $0xF7A, s2;
	p2 =	seq.s32 @!p0 s5, $0x0  }
0x1f: {  	s9 =	smul.u32 $0xF7A, s1;
	s8 =	simm.s32 @!p0 $0x1BF5;
	p2 =	por !p2, p0  }
0x20: {  	[sflag:s8] =	ssyncset.s32 @!p0 $0xFFFFF086;
	s6 =	sadd.s32 @!p0 s3, s7;
	s7 =	simm.s32 @!p0 $0x108  }
0x21: {  	s3 =	sadd.s32 s3, s9;
	s6 =	sadd.s32 @!p0 $0x88, s6;
	s7 =	simm.s32 @p2 $0x1082  }
0x22: {  	[simem:s7], [sflag:s8] =	dma.local @!p0 [hbm:s6], $0xF7A  }
0x23: {  	s9 =	sor.u32 $0xD0000000, s2;
	s6 =	simm.s32 $0x108;
	_ =	swait.ge @!p0 [sflag:s8], $0x0  }
0x24: {  	s3 =	sadd.s32 $0x88, s3;
	s6 =	simm.s32 @!p1 $0x1082;
	[sflag:s4] =	ssyncset.s32 $0xFFFFF086  }
0x25: {  	[simem:s6], [sflag:s4] =	dma.local [hbm:s3], $0xF7A  }
0x26: {  	[smem:$0x3F92] =	sst s1;
	(tag) =	ssettag s2;
	_ =	strace s9  }
0x27: {  	s1 =	sld [smem:$0x3FA2]  }
0x28: {  	s2 =	sld [smem:$0x3FA3]  }
0x29: {  	s4 =	sld [smem:$0x3FA5]  }
0x2a: {  	p0 =	seq.s32 s5, $0x0;
	s5 =	sld [smem:$0x3FA6]  }
0x2b: {  	s6 =	sld [smem:$0x3FA7]  }
0x2c: {  	s7 =	sld [smem:$0x3FA8]  }
0x2d: {  	s3 =	simm.s32 $0x108;
	s8 =	sld [smem:$0x3FA9]  }
0x2e: {  	s3 =	simm.s32 @!p0 $0x1082;
	s9 =	sld [smem:$0x3FAA]  }
0x2f: {  	lr =	sadd.s32 s0, s3;
	s0 =	sld [smem:$0x3FA1]  }
0x30: {  	s3 =	sld [smem:$0x3FA4]  }
0x31: {  	[smem:$0x3FAD] =	sst s10  }
0x32: {  	s10 =	sld [smem:$0x3FAB];
	_ =	sdelay $0x3  }
0x33: {  	p0 =	seq.s32 s10, $0x1;
	s10 =	sld [smem:$0x3FAD];
	_ =	sdelay $0x3  }
0x34: {  	[smem:$0x3FAD] =	sst s10  }
0x35: {  	s10 =	sld [smem:$0x3FAC];
	_ =	sdelay $0x3  }
0x36: {  	p1 =	seq.s32 s10, $0x1;
	s10 =	sld [smem:$0x3FAD];
	_ =	sdelay $0x3  }
0x37: {  	[smem:$0x3FAD] =	sst s10  }
0x38: {  	s10 =	sld [smem:$0x3FAE]  }
0x39: {  	_ = 	snop;
	(pc) =	sbr.ind lr, $3  }
0x3a: {  	_ = 	snop  }
0x3b: {  	_ = 	snop  }
0x3c: {  	p2 =	seq.s32 s10, $0x1;
	s10 =	sld [smem:$0x3FAD]  }
0x3d: {  	_ =	shalt  }
0x3e: {  	_ =	shalt  }
0x3f: {  	_ =	shalt  }
0x40: {  	_ =	shalt  }
0x41: {  	_ =	shalt  }
0x42: {  	_ =	shalt  }
0x43: {  	_ =	shalt  }
0x44: {  	_ =	shalt  }
0x45: {  	_ =	shalt  }
0x46: {  	_ =	shalt  }
0x47: {  	_ =	shalt  }
0x48: {  	_ =	shalt  }
0x49: {  	_ =	shalt  }
0x4a: {  	_ =	shalt  }
0x4b: {  	_ =	shalt  }
0x4c: {  	_ =	shalt  }
0x4d: {  	_ =	shalt  }
0x4e: {  	_ =	shalt  }
0x4f: {  	_ =	shalt  }
0x50: {  	_ =	shalt  }
0x51: {  	_ =	shalt  }
0x52: {  	_ =	shalt  }
0x53: {  	_ =	shalt  }
0x54: {  	_ =	shalt  }
0x55: {  	_ =	shalt  }
0x56: {  	_ =	shalt  }
0x57: {  	_ =	shalt  }
0x58: {  	_ =	shalt  }
0x59: {  	_ =	shalt  }
0x5a: {  	_ =	shalt  }
0x5b: {  	_ =	shalt  }
0x5c: {  	_ =	shalt  }
0x5d: {  	_ =	shalt  }
0x5e: {  	_ =	shalt  }
0x5f: {  	_ =	shalt  }
0x60: {  	_ =	shalt  }
0x61: {  	_ =	shalt  }
0x62: {  	_ =	shalt  }
0x63: {  	_ =	shalt  }
0x64: {  	_ =	shalt  }
0x65: {  	_ =	shalt  }
0x66: {  	_ =	shalt  }
0x67: {  	_ =	shalt  }
0x68: {  	_ =	shalt  }
0x69: {  	_ =	shalt  }
0x6a: {  	_ =	shalt  }
0x6b: {  	_ =	shalt  }
0x6c: {  	_ =	shalt  }
0x6d: {  	_ =	shalt  }
0x6e: {  	_ =	shalt  }
0x6f: {  	_ =	shalt  }
0x70: {  	_ =	shalt  }
0x71: {  	_ =	shalt  }
0x72: {  	_ =	shalt  }
0x73: {  	_ =	shalt  }
0x74: {  	_ =	shalt  }
0x75: {  	_ =	shalt  }
0x76: {  	_ =	shalt  }
0x77: {  	_ =	shalt  }
0x78: {  	_ =	shalt  }
0x79: {  	_ =	shalt  }
0x7a: {  	_ =	shalt  }
0x7b: {  	_ =	shalt  }
0x7c: {  	_ =	shalt  }
0x7d: {  	_ =	shalt  }
0x7e: {  	_ =	shalt  }
0x7f: {  	_ =	shalt  }
0x80: {  	_ =	shalt  }
0x81: {  	_ =	shalt  }
0x82: {  	_ =	shalt  }
0x83: {  	_ =	shalt  }
0x84: {  	_ =	shalt  }
0x85: {  	_ =	shalt  }
0x86: {  	_ =	shalt  }
0x87: {  	_ =	shalt  }
.Lfunc_end0:
.L_simem_size_0:
called_computation_lowered:
.L_overlay_start_0:
0x88: {  	s2 =	sld [smem:$0x3FD9]  }
0x89: {  	s3 =	sld [smem:$0x3FFE];
	_ =	sdelay $0x1  }
0x8a: {  	s1 =	srdreg.scid  }
0x8b: {  	s0 =	sand.u32 $0x1, s1  }
0x8c: {  	s16 =	sshll.u32 s0, $0xA;
	s2 =	sadd.s32 s3, s2  }
0x8d: {  	s2 =	sadd.s32 s2, s16  }
0x8e: {  	[smem:$0x3FB9] =	sst s2  }
0x8f: {  	_ = 	snop  }
0x90: {  	(tm) =	ssettm $0x1  }
0x91: {  	s17 =	sld [smem:$0x3FFB];
	_ =	sdelay $0x3  }
0x92: {  	_ =	strace s17  }
0x93: {  	s2 =	sld [smem:$0x3FFC];
	_ =	sdelay $0x3  }
0x94: {  	_ =	strace s2  }
0x95: {  	s2 =	sld [smem:$0x3FFD];
	_ =	sdelay $0x3  }
0x96: {  	_ =	strace s2  }
0x97: {  	_ =	strace $0x8FFFFFFF  }
0x98: {  	s18 =	sld [smem:$0x3FDB];
	_ =	sdelay $0x1  }
0x99: {  	s19 =	simm.s32 $_scs_section_size  }
0x9a: {  	s4 =	simm.s32 $_size__tile_overlayer_lowered;
	s5 =	simm.s32 $_tile_overlayer_lowered  }
0x9b: {  	s22 =	simm.s32 $0x1BFF;
	s21 =	sshll.u32 s5, $0x1;
	s2 =	sadd.s32 s19, s18  }
0x9c: {  	s6 =	simm.s32 $0x0;
	s20 =	sshll.u32 s4, $0x1;
	s4 =	sadd.s32 s21, s2  }
0x9d: {  	[timem:s6], [sflag:s22] =	dma.local [hbm:s4], s20  }
0x9e: {  	_ =	swait.ge [sflag:s22], s20  }
0x9f: {  	s3 =	ssub.s32 $0x0, s20;
	[sflag:s22] =	ssyncset.done $0x0  }
0xa0: {  	[sflag:s22] =	ssyncadd.s32 s3;
	_ =	sdelay $0x1  }
0xa1: {  	s23 =	simm.s32 $0x1B8B  }
0xa2: {  	_ =	swait.ge [sflag:s23], $0x1  }
0xa3: {  	[sflag:s23] =	ssyncset.done $0x0  }
0xa4: {  	s25 =	simm.s32 $0x1B8E;
	s24 =	sld [smem:$0x3FFE];
	[sflag:s23] =	ssyncadd.s32 $0xFFFFFFFF  }
0xa5: {  	s26 =	simm.s32 $execute0_lowered;
	[smem:$0x3FD2] =	sst s25  }
0xa6: {  	s4 =	sshll.u32 s26, $0x1;
	_ =	strace $0x80000046;
	[dreg:$0x1] =	wrdreg $0xFFFFFFFF  }
0xa7: {  	s28 =	simm.s32 $_size_execute0_lowered;
	s2 =	sadd.s32 s2, s4;
	[dreg:$0x0] =	wrdreg $0x0  }
0xa8: {  	s4 =	sshll.u32 s28, $0x1;
	[dreg:$0x2] =	wrdreg s2  }
0xa9: {  	[dreg:$0x3] =	wrdreg s4  }
0xaa: {  	[dreg:$0x4] =	wrdreg $0xC0  }
0xab: {  	_ =	task [dreg:s6], $0x5FFFF  }
0xac: {  	[dreg:$0x1] =	wrdreg $0xFFFFFFFF  }
0xad: {  	[dreg:$0x0] =	wrdreg $0x60  }
0xae: {  	[dreg:$0x2] =	wrdreg s24  }
0xaf: {  	[dreg:$0x3] =	wrdreg $0x9  }
0xb0: {  	_ =	task.clear_ibuf [dreg:s6], $0x4FFFF;
	_ =	strace $0x90000046  }
0xb1: {  	s29 =	simm.s32 $0x9;
	_ =	strace $0x80000048  }
0xb2: {  	_ =	swait.ge [sflag:s29], $0x1  }
0xb3: {  	[sflag:s29] =	ssyncadd.s32 $0xFFFFFFFF  }
0xb4: {  	_ =	strace $0x90000048  }
0xb5: {  	_ =	sfence  }
0xb6: {  	s30 =	sld [smem:$0x0];
	_ =	sdelay $0x2  }
0xb7: {  	s31 =	sshll.u32 s1, $0xD;
	s1 =	sshrl.u32 s1, $0x2  }
0xb8: {  	s3 =	sand.u32 $0x4000, s31;
	s1 =	sadd.s32 s1, s30  }
0xb9: {  	s0 =	sor.u32 s3, s0;
	s1 =	sshll.u32 s1, $0x11  }
0xba: {  	s0 =	sor.u32 s1, s0  }
0xbb: {  	s0 =	sadd.s32 $0x8F2B, s0  }
0xbc: {  	[sflag:s0] =	ssyncadd.remote.s32 $0x1  }
0xbd: {  	_ =	sfence.sel $0xFFFF  }
0xbe: {  	[dreg:$0x0] =	wrdreg $0xFFFFFFFF;
	(pc) =	sbr.abs _section_cstart, $3  }
0xbf: {  	[dreg:$0x1] =	wrdreg $0xFFFFFFFF  }
0xc0: {  	_ =	task.clear_ibuf [dreg:s6], $0x2FFFF;
	_ =	strace $0x9FFFFFFF  }
0xc1: {  	(tm) =	ssettm $0x7FFFFFFF  }
tec
execute0_lowered:
.L_overlay_start_1:
0x0: {  	(tag) =	ssettag $0x1  }
0x1: {  	s3 =	rddreg [dreg:$0x0];
	s2 =	srdreg.scid  }
0x2: {  	s0 =	rddreg [dreg:$0x1];
	s1 =	stileid.u32  }
0x3: {  	s9 =	simm.s32 $0x1;
	s10 =	simm.s32 $0x0;
	s4 =	sand.u32 $0x1, s2  }
0x4: {  	s2 =	simm.s32 $0x0;
	s5 =	sshll.u32 s1, $0xD;
	s30 =	sshll.u32 s1, $0x11  }
0x5: {  	s6 =	sshll.u32 s4, $0xC;
	[smem:$0x7FF] =	sst s2;
	s29 =	ssub.s32 $0x2, s4  }
0x6: {  	s31 =	sshll.u32 s4, $0x10;
	s5 =	sor.u32 s6, s5;
	s8 =	sshrl.u32 s29, $0x1  }
0x7: {  	_ =	strace $0x80000047;
	s5 =	sshrl.u32 s5, $0x3;
	s6 =	ssub.s32 s29, s8  }
0x8: {  	s8 =	simm.s32 $0x80;
	s7 =	sadd.s32 s5, s3;
	s5 =	sadd.s32 s30, s3  }
0x9: {  	s3 =	sadd.s32 $0x6C00, s3;
	s4 =	smax.u32 s6, $0x1;
	s5 =	sadd.s32 s31, s5  }
0xa: {  	s6 =	sadd.s32 $0x2C00, s7;
	s7 =	simm.s32 $0x2;
	s5 =	sadd.s32 $0x26C00, s5  }
.LBB2_1:
0xb: {  	s11 =	sadd.s32 $0x0, s6  }
0xc: {  	[tilespmem:s2], [sflag:$0x2] =	stream.linear.gather [hbm4b:s11+s2], $0x80, $0x38;
	[tilespmem:$0x4080] =	vst v63  }
0xd: {  	_ =	swait.ge [sflag:s7], $0x80  }
0xe: {  	[sflag:s7] =	ssyncset.done $0x0  }
0xf: {  	[sflag:s7] =	ssyncadd.s32 $0xFFFFFF80  }
0x10: {  	[tilespmem:s8], [sflag:$0x1] =	stream.indirect.gather [hbm4b:s3+s8], $0x80, s2, s8, $0xb8;
	[tilespmem:$0x4080] =	vst v63  }
0x11: {  	_ =	swait.ge [sflag:s9], $0x4000  }
0x12: {  	[sflag:s9] =	ssyncset.done $0x0  }
0x13: {  	[sflag:s9] =	ssyncadd.s32 $0xFFFFC000  }
0x14: {  	[hbm4b:s5+s2] =	stream.linear.scatter [tilespmem:s8], [sflag:$0x2], $0x4000, $0x38;
	[tilespmem:$0x4080] =	vst v63  }
0x15: {  	s12 =	simm.s32 $0x10;
	_ =	swait.ge [sflag:s7], $0x4000  }
0x16: {  	s13 =	simm.s32 $0x20;
	s11 =	sadd.s32 $0x800, s5;
	[sflag:s7] =	ssyncset.done $0x0  }
.LBB2_2:
0x17: {  	s14 =	sadd.s32 s12, s6  }
0x18: {  	[sflag:s7] =	ssyncadd.s32 $0xFFFFC000;
	s12 =	smov.u32 s13;
	s15 =	sadd.s32 $0x10, s13  }
0x19: {  	[tilespmem:s2], [sflag:$0x2] =	stream.linear.gather [hbm4b:s14+s2], $0x80, $0x38;
	[tilespmem:$0x4080] =	vst v63  }
0x1a: {  	p0 =	sne.s32 s13, $0x1F0;
	_ =	swait.ge [sflag:s7], $0x80  }
0x1b: {  	[sflag:s7] =	ssyncset.done $0x0  }
0x1c: {  	[sflag:s7] =	ssyncadd.s32 $0xFFFFFF80  }
0x1d: {  	[tilespmem:s8], [sflag:$0x1] =	stream.indirect.gather [hbm4b:s3+s8], $0x80, s2, s8, $0xb8;
	[tilespmem:$0x4080] =	vst v63  }
0x1e: {  	_ =	swait.ge [sflag:s9], $0x4000  }
.Ltmp0:
0x1f: {  	[sflag:s9] =	ssyncset.done $0x0;
	(pc) =	sbr.rel @p0 .LBB2_2-.Ltmp0, $4  }
0x20: {  	[sflag:s9] =	ssyncadd.s32 $0xFFFFC000  }
0x21: {  	[hbm4b:s11+s2] =	stream.linear.scatter [tilespmem:s8], [sflag:$0x2], $0x4000, $0x38;
	[tilespmem:$0x4080] =	vst v63  }
0x22: {  	_ =	swait.ge [sflag:s7], $0x4000  }
0x23: {  	s13 =	smov.u32 s15;
	s11 =	sadd.s32 $0x800, s11;
	[sflag:s7] =	ssyncset.done $0x0  }
0x24: {  	s12 =	sadd.s32 s12, s6;
	[sflag:s7] =	ssyncadd.s32 $0xFFFFC000  }
0x25: {  	[tilespmem:s2], [sflag:$0x2] =	stream.linear.gather [hbm4b:s12+s2], $0x80, $0x38;
	[tilespmem:$0x4080] =	vst v63  }
0x26: {  	_ =	swait.ge [sflag:s7], $0x80  }
0x27: {  	[sflag:s7] =	ssyncset.done $0x0  }
0x28: {  	[sflag:s7] =	ssyncadd.s32 $0xFFFFFF80  }
0x29: {  	[tilespmem:s8], [sflag:$0x1] =	stream.indirect.gather [hbm4b:s3+s8], $0x80, s2, s8, $0xb8;
	[tilespmem:$0x4080] =	vst v63  }
0x2a: {  	s10 =	sadd.s32 $0x1, s10;
	_ =	swait.ge [sflag:s9], $0x4000  }
0x2b: {  	p0 =	sne.s32 s10, s4;
	[sflag:s9] =	ssyncset.done $0x0  }
.Ltmp1:
0x2c: {  	[sflag:s9] =	ssyncadd.s32 $0xFFFFC000;
	(pc) =	sbr.rel @p0 .LBB2_1-.Ltmp1, $4  }
0x2d: {  	[hbm4b:s11+s2] =	stream.linear.scatter [tilespmem:s8], [sflag:$0x2], $0x4000, $0x38;
	[tilespmem:$0x4080] =	vst v63  }
0x2e: {  	_ =	swait.ge [sflag:s7], $0x4000  }
0x2f: {  	[sflag:s7] =	ssyncset.done $0x0  }
0x30: {  	[sflag:s7] =	ssyncadd.s32 $0xFFFFC000  }
0x31: {  	_ =	sfence.sel $0x180000  }
0x32: {  	[bflag:$0x0] =	sbarrier.arrive $0xFFFF  }
0x33: {  	p0 =	sne.s32 s1, $0x0;
	_ =	strace $0x90000047  }
0x34: {  	s0 =	sadd.s32 @!p0 $0x100000, s0;
	[bflag:$0x2] =	sbarrier.arrive $0xFFFF  }
0x35: {  	[sflag:s0] =	ssyncadd.tile.s32 @!p0 $0x1;
	_ =	shalt  }
.Lfunc_end2:
_tile_overlayer_lowered:
.L_overlay_start_2:
0x36: {  	(tag) =	ssettag $0x2  }
0x37: {  	s0 =	rddreg [dreg:$0x0];
	s2 =	stileid.u32  }
0x38: {  	s1 =	rddreg [dreg:$0x1];
	p0 =	sne.s32 s2, $0x0  }
0x39: {  	s3 =	rddreg [dreg:$0x2];
	[bflag:$0x3] =	sbarrier.arrive $0xFFFF;
	s2 =	simm.s32 @!p0 $0x1C02  }
0x3a: {  	[timem:s3], [sflag:s2] =	dma.local @!p0 [hbm:s0], s1  }
0x3b: {  	s0 =	simm.s32 @!p0 $0x2  }
0x3c: {  	_ =	swait.ge @!p0 [sflag:s0], s1  }
0x3d: {  	s1 =	ssub.s32 @!p0 $0x0, s1;
	[sflag:s0] =	ssyncset.done @!p0 $0x0  }
0x3e: {  	[sflag:s0] =	ssyncadd.s32 @!p0 s1  }
0x3f: {  	[bflag:$0x3] =	sbarrier.arrive $0xFFFF  }
0x40: {  	_ =	shalt  }

</sc_bundles>
